<compile_context>
chip_gen: v7x
topology: tpu7x:2x2x1
jax: 0.10.2.dev20260603
libtpu: 0.0.44.dev20260713+nightly
codegen_flags: <defaults>
</compile_context>

<pallas_src>
import jax
import jax.numpy as jnp
from jax import lax
from jax.experimental import pallas as pl
from jax.experimental.pallas import tpu as pltpu
from jax.experimental.pallas import tpu_sc as plsc

NE = 100000
NR = 1000
D = 128
B = 16384

NC = 2
NS = 16
L = 16
NW = NC * NS
BPW = B // NW
CH = 64
NCHUNK = BPW // CH
NGRP = CH // L


def _rsqrt(p):
    i = plsc.bitcast(p, jnp.int32)
    i = jnp.int32(0x5F3759DF) - lax.shift_right_logical(i, 1)
    y = plsc.bitcast(i, jnp.float32)
    for _ in range(4):
        y = y * (1.5 - 0.5 * p * y * y)
    return y


def _sc_body(u_idx, v_idx, r_idx, E, Wu, rv, bs, bo, E1, rv1, out,
             idx_u, idx_v, idx_r, bs_b, bo_b,
             u_r, v_r, u1_r, v1_r, ru_r, rvv_r, rv1_r, out_v, sem):
    wid = lax.axis_index("s") * NC + lax.axis_index("c")
    base = wid * BPW
    lane = lax.iota(jnp.int32, 16)
    zero = jnp.zeros((16,), jnp.float32)

    pltpu.sync_copy(u_idx.at[pl.ds(base, BPW)], idx_u)
    pltpu.sync_copy(v_idx.at[pl.ds(base, BPW)], idx_v)
    pltpu.sync_copy(r_idx.at[pl.ds(base, BPW)], idx_r)

    def bufs(p):
        return (u_r.at[p], v_r.at[p], u1_r.at[p], v1_r.at[p],
                ru_r.at[p], rvv_r.at[p], rv1_r.at[p],
                bs_b.at[p], bo_b.at[p])

    def srcs(c):
        iu = idx_u.at[pl.ds(c * CH, CH)]
        iv = idx_v.at[pl.ds(c * CH, CH)]
        ir = idx_r.at[pl.ds(c * CH, CH)]
        return (E.at[iu], E.at[iv], E1.at[iu], E1.at[iv],
                Wu.at[ir], rv.at[ir], rv1.at[ir],
                bs.at[iu], bo.at[iv])

    def issue(c, p):
        for s, b in zip(srcs(c), bufs(p)):
            pltpu.async_copy(s, b, sem.at[p])

    def drain(c, p):
        for s, b in zip(srcs(c), bufs(p)):
            pltpu.make_async_copy(s, b, sem.at[p]).wait()

    def compute(c, p):
        u_b, v_b, u1_b, v1_b, ru_b, rvv_b, rv1_b, bs_bp, bo_bp = bufs(p)

        def gbody(g, _):
            rows = lane + g * L

            def dbody(d, carry):
                su, sa, dot, e = carry
                col = jnp.bitwise_and(d + lane, D - 1)
                u = plsc.load_gather(u_b, [rows, col])
                ru = plsc.load_gather(ru_b, [rows, col])
                uw = u * ru
                v = plsc.load_gather(v_b, [rows, col])
                rvv = plsc.load_gather(rvv_b, [rows, col])
                a = v + rvv
                su = su + uw * uw
                sa = sa + a * a
                dot = dot + uw * a
                u1 = plsc.load_gather(u1_b, [rows, col])
                v1 = plsc.load_gather(v1_b, [rows, col])
                rv1v = plsc.load_gather(rv1_b, [rows, col])
                d1 = u1 * ru - v1 - rv1v
                e = e + d1 * d1
                return (su, sa, dot, e)

            su, sa, dot, e = lax.fori_loop(
                0, D, dbody, (zero, zero, zero, zero))
            q = (su + 1.0) * (sa + 1.0)
            sq = q * _rsqrt(q)
            res = (2.0 + 2.0 * dot - 2.0 * sq - e
                   + bs_bp[pl.ds(g * L, L)] + bo_bp[pl.ds(g * L, L)])
            out_v[pl.ds(c * CH + g * L, L)] = res
            return 0

        lax.fori_loop(0, NGRP, gbody, 0)

    issue(0, 0)

    def pair_body(t, _):
        c0 = 2 * t
        c1 = c0 + 1
        issue(c1, 1)
        drain(c0, 0)
        compute(c0, 0)

        @pl.when(t < NCHUNK // 2 - 1)
        def _():
            issue(c0 + 2, 0)

        drain(c1, 1)
        compute(c1, 1)
        return 0

    lax.fori_loop(0, NCHUNK // 2, pair_body, 0)

    pltpu.sync_copy(out_v, out.at[pl.ds(base, BPW)])


@jax.jit
def _mu_rel_sc(u_idx, r_idx, v_idx, E, Wu, rv, bs, bo, E1, rv1):
    mesh = plsc.VectorSubcoreMesh(core_axis_name="c", subcore_axis_name="s")
    kern = pl.kernel(
        _sc_body,
        out_type=jax.ShapeDtypeStruct((B,), jnp.float32),
        mesh=mesh,
        scratch_types=[
            pltpu.VMEM((BPW,), jnp.int32),
            pltpu.VMEM((BPW,), jnp.int32),
            pltpu.VMEM((BPW,), jnp.int32),
            pltpu.VMEM((2, CH), jnp.float32),
            pltpu.VMEM((2, CH), jnp.float32),
            pltpu.VMEM((2, CH, D), jnp.float32),
            pltpu.VMEM((2, CH, D), jnp.float32),
            pltpu.VMEM((2, CH, D), jnp.float32),
            pltpu.VMEM((2, CH, D), jnp.float32),
            pltpu.VMEM((2, CH, D), jnp.float32),
            pltpu.VMEM((2, CH, D), jnp.float32),
            pltpu.VMEM((2, CH, D), jnp.float32),
            pltpu.VMEM((BPW,), jnp.float32),
            pltpu.SemaphoreType.DMA((2,)),
        ],
        compiler_params=pltpu.CompilerParams(
            use_tc_tiling_on_sc=False, needs_layout_passes=False,
            skip_device_barrier=True, disable_bounds_checks=True),
    )
    return kern(u_idx, v_idx, r_idx, E, Wu, rv, bs, bo, E1, rv1)


def kernel(u_idx, r_idx, v_idx, E, Wu, rv, bs, bo, E1, Wu1, rv1):
    del Wu1
    return _mu_rel_sc(u_idx, r_idx, v_idx, E, Wu, rv, bs, bo, E1, rv1)

# --- scband reference (transcript-rebuilt; emitter-appended) ---
"""Pipeline reference for scband-mu-rel-3195455668578 (READ-ONLY COPY).

The authoritative reference and input builder live on the scoring server;
editing this copy changes nothing except your own understanding.
"""

import jax, jax.numpy as jnp
import numpy as np

NE = 100000
NR = 1000
D = 128
B = 16384


def setup_inputs(seed: int = 0):
    key = jax.random.key(seed)
    ks = jax.random.split(key, 10)
    u_idx = jax.random.randint(ks[0], (B,), 0, NE)
    r_idx = jax.random.randint(ks[1], (B,), 0, NR)
    v_idx = jax.random.randint(ks[2], (B,), 0, NE)
    E = 0.001 * jax.random.normal(ks[3], (NE, D), dtype=jnp.float32)
    Wu = jax.random.uniform(ks[4], (NR, D), minval=-1.0, maxval=1.0, dtype=jnp.float32)
    rv = 0.001 * jax.random.normal(ks[5], (NR, D), dtype=jnp.float32)
    bs = jnp.zeros((NE,), dtype=jnp.float32)
    bo = jnp.zeros((NE,), dtype=jnp.float32)
    E1 = 0.001 * jax.random.normal(ks[6], (NE, D), dtype=jnp.float32)
    Wu1 = jax.random.uniform(ks[7], (NR, D), minval=-1.0, maxval=1.0, dtype=jnp.float32)
    rv1 = 0.001 * jax.random.normal(ks[8], (NR, D), dtype=jnp.float32)
    return {"u_idx": u_idx, "r_idx": r_idx, "v_idx": v_idx,
            "E": E, "Wu": Wu, "rv": rv, "bs": bs, "bo": bo,
            "E1": E1, "Wu1": Wu1, "rv1": rv1}


def _lorentz(u, v, beta=1.0):
    u0 = jnp.sqrt(jnp.sum(u * u, axis=-1) + beta)
    v0 = -jnp.sqrt(jnp.sum(v * v, axis=-1) + beta)
    # concatenating u0/v0 then summing == sum(u*v) + u0*v0
    return -2.0 * beta - 2.0 * (jnp.sum(u * v, axis=-1) + u0 * v0)


def reference(u_idx, r_idx, v_idx, E, Wu, rv, bs, bo, E1, Wu1, rv1):
    u = jnp.take(E, u_idx, axis=0)
    v = jnp.take(E, v_idx, axis=0)
    Ru = jnp.take(Wu, r_idx, axis=0)
    rvv = jnp.take(rv, r_idx, axis=0)
    u_W = u * Ru
    u1 = jnp.take(E1, u_idx, axis=0)
    v1 = jnp.take(E1, v_idx, axis=0)
    Ru1 = jnp.take(Wu, r_idx, axis=0)  # faithful to original: uses Wu, not Wu1
    rv1v = jnp.take(rv1, r_idx, axis=0)
    u_W1 = u1 * Ru1
    sqdist_lorentz = _lorentz(u_W, v + rvv)
    sqdist_euclidean = jnp.sum(jnp.square(u_W1 - (v1 + rv1v)), axis=-1)
    sqdist = sqdist_lorentz + sqdist_euclidean
    return -sqdist + jnp.take(bs, u_idx) + jnp.take(bo, v_idx)

if __name__ == "__main__":
    import jax
    _d = setup_inputs()
    print(jax.jit(kernel)(*tuple(_d.values())))

</pallas_src>

<mosaic_0001>
#map = affine_map<(d0, d1) -> (0)>
#map1 = affine_map<(d0, d1) -> (0, 0)>
module attributes {stable_mosaic.version = 14 : i64} {
  func.func @_sc_body(%arg0: i32, %arg1: i32, %arg2: memref<16384xi32, #tpu.memory_space<hbm>>, %arg3: memref<16384xi32, #tpu.memory_space<hbm>>, %arg4: memref<16384xi32, #tpu.memory_space<hbm>>, %arg5: memref<100000x128xf32, #tpu.memory_space<hbm>>, %arg6: memref<1000x128xf32, #tpu.memory_space<hbm>>, %arg7: memref<1000x128xf32, #tpu.memory_space<hbm>>, %arg8: memref<100000xf32, #tpu.memory_space<hbm>>, %arg9: memref<100000xf32, #tpu.memory_space<hbm>>, %arg10: memref<100000x128xf32, #tpu.memory_space<hbm>>, %arg11: memref<1000x128xf32, #tpu.memory_space<hbm>>, %arg12: memref<16384xf32, #tpu.memory_space<hbm>>, %arg13: memref<512xi32, #tpu.memory_space<vmem>>, %arg14: memref<512xi32, #tpu.memory_space<vmem>>, %arg15: memref<512xi32, #tpu.memory_space<vmem>>, %arg16: memref<2x64xf32, #tpu.memory_space<vmem>>, %arg17: memref<2x64xf32, #tpu.memory_space<vmem>>, %arg18: memref<2x64x128xf32, #tpu.memory_space<vmem>>, %arg19: memref<2x64x128xf32, #tpu.memory_space<vmem>>, %arg20: memref<2x64x128xf32, #tpu.memory_space<vmem>>, %arg21: memref<2x64x128xf32, #tpu.memory_space<vmem>>, %arg22: memref<2x64x128xf32, #tpu.memory_space<vmem>>, %arg23: memref<2x64x128xf32, #tpu.memory_space<vmem>>, %arg24: memref<2x64x128xf32, #tpu.memory_space<vmem>>, %arg25: memref<512xf32, #tpu.memory_space<vmem>>, %arg26: memref<2x!tpu.dma_semaphore, #tpu.memory_space<semaphore_mem>>) attributes {dimension_semantics = [#tpu.dimension_semantics<core_parallel>, #tpu.dimension_semantics<subcore_parallel>], iteration_bounds = array<i64: 2, 16>, scalar_prefetch = 0 : i64, scratch_operands = 14 : i64, tpu.core_type = #tpu.core_type<sc_vector_subcore>, window_params = [{transform_indices = #map}, {transform_indices = #map}, {transform_indices = #map}, {transform_indices = #map1}, {transform_indices = #map1}, {transform_indices = #map1}, {transform_indices = #map}, {transform_indices = #map}, {transform_indices = #map1}, {transform_indices = #map1}, {transform_indices = #map}]} {
    %mul3A = arith.constant 2 : i32
    %mul3A_0 = arith.muli %arg1, %mul3A : i32
    %add3A = arith.addi %mul3A_0, %arg0 : i32
    %mul3A_1 = arith.constant 512 : i32
    %mul3A_2 = arith.muli %add3A, %mul3A_1 : i32
    %iota3A = tpu.iota {dimensions = array<i32: 0>} : vector<16xi32>
    %broadcast_in_dim3A = arith.constant 0.000000e+00 : f32
    %broadcast_in_dim3A_3 = vector.broadcast %broadcast_in_dim3A : f32 to vector<16xf32>
    "tpu.region"() ({
      %run_scoped3A = tpu.sem_alloc : memref<!tpu.dma_semaphore, #tpu.memory_space<semaphore_mem>>
      %dma_start3A_122 = tpu.memref_slice %arg2[%mul3A_2] : memref<16384xi32, #tpu.memory_space<hbm>> -> memref<512xi32, #tpu.memory_space<hbm>>
      %dma_start3A_123 = tpu.memref_slice %arg2[%mul3A_2] : memref<16384xi32, #tpu.memory_space<hbm>> -> memref<512xi32, #tpu.memory_space<hbm>>
      tpu.enqueue_dma source(%dma_start3A_123 : memref<512xi32, #tpu.memory_space<hbm>>) target(%arg13 : memref<512xi32, #tpu.memory_space<vmem>>) target_semaphore(%run_scoped3A : memref<!tpu.dma_semaphore, #tpu.memory_space<semaphore_mem>>)
      %dma_wait3A = tpu.memref_slice %arg2[%mul3A_2] : memref<16384xi32, #tpu.memory_space<hbm>> -> memref<512xi32, #tpu.memory_space<hbm>>
      %dma_wait3A_124 = tpu.memref_slice %arg2[%mul3A_2] : memref<16384xi32, #tpu.memory_space<hbm>> -> memref<512xi32, #tpu.memory_space<hbm>>
      tpu.wait_dma2 semaphore(%run_scoped3A : memref<!tpu.dma_semaphore, #tpu.memory_space<semaphore_mem>>) src(%dma_wait3A_124 : memref<512xi32, #tpu.memory_space<hbm>>) dst(%arg13 : memref<512xi32, #tpu.memory_space<vmem>>)
      tpu.yield
    }) : () -> ()
    "tpu.region"() ({
      %run_scoped3A = tpu.sem_alloc : memref<!tpu.dma_semaphore, #tpu.memory_space<semaphore_mem>>
      %dma_start3A_122 = tpu.memref_slice %arg3[%mul3A_2] : memref<16384xi32, #tpu.memory_space<hbm>> -> memref<512xi32, #tpu.memory_space<hbm>>
      %dma_start3A_123 = tpu.memref_slice %arg3[%mul3A_2] : memref<16384xi32, #tpu.memory_space<hbm>> -> memref<512xi32, #tpu.memory_space<hbm>>
      tpu.enqueue_dma source(%dma_start3A_123 : memref<512xi32, #tpu.memory_space<hbm>>) target(%arg14 : memref<512xi32, #tpu.memory_space<vmem>>) target_semaphore(%run_scoped3A : memref<!tpu.dma_semaphore, #tpu.memory_space<semaphore_mem>>)
      %dma_wait3A = tpu.memref_slice %arg3[%mul3A_2] : memref<16384xi32, #tpu.memory_space<hbm>> -> memref<512xi32, #tpu.memory_space<hbm>>
      %dma_wait3A_124 = tpu.memref_slice %arg3[%mul3A_2] : memref<16384xi32, #tpu.memory_space<hbm>> -> memref<512xi32, #tpu.memory_space<hbm>>
      tpu.wait_dma2 semaphore(%run_scoped3A : memref<!tpu.dma_semaphore, #tpu.memory_space<semaphore_mem>>) src(%dma_wait3A_124 : memref<512xi32, #tpu.memory_space<hbm>>) dst(%arg14 : memref<512xi32, #tpu.memory_space<vmem>>)
      tpu.yield
    }) : () -> ()
    "tpu.region"() ({
      %run_scoped3A = tpu.sem_alloc : memref<!tpu.dma_semaphore, #tpu.memory_space<semaphore_mem>>
      %dma_start3A_122 = tpu.memref_slice %arg4[%mul3A_2] : memref<16384xi32, #tpu.memory_space<hbm>> -> memref<512xi32, #tpu.memory_space<hbm>>
      %dma_start3A_123 = tpu.memref_slice %arg4[%mul3A_2] : memref<16384xi32, #tpu.memory_space<hbm>> -> memref<512xi32, #tpu.memory_space<hbm>>
      tpu.enqueue_dma source(%dma_start3A_123 : memref<512xi32, #tpu.memory_space<hbm>>) target(%arg15 : memref<512xi32, #tpu.memory_space<vmem>>) target_semaphore(%run_scoped3A : memref<!tpu.dma_semaphore, #tpu.memory_space<semaphore_mem>>)
      %dma_wait3A = tpu.memref_slice %arg4[%mul3A_2] : memref<16384xi32, #tpu.memory_space<hbm>> -> memref<512xi32, #tpu.memory_space<hbm>>
      %dma_wait3A_124 = tpu.memref_slice %arg4[%mul3A_2] : memref<16384xi32, #tpu.memory_space<hbm>> -> memref<512xi32, #tpu.memory_space<hbm>>
      tpu.wait_dma2 semaphore(%run_scoped3A : memref<!tpu.dma_semaphore, #tpu.memory_space<semaphore_mem>>) src(%dma_wait3A_124 : memref<512xi32, #tpu.memory_space<hbm>>) dst(%arg15 : memref<512xi32, #tpu.memory_space<vmem>>)
      tpu.yield
    }) : () -> ()
    %dma_start3A = arith.constant 0 : i32
    %dma_start3A_4 = arith.constant 0 : i32
    %dma_start3A_5 = arith.constant 0 : i32
    %dma_start3A_6 = arith.constant 0 : i32
    %dma_start3A_7 = tpu.memref_slice %arg18[%dma_start3A, %dma_start3A_5, %dma_start3A_6] : memref<2x64x128xf32, #tpu.memory_space<vmem>> -> memref<1x64x128xf32, #tpu.memory_space<vmem>>
    %dma_start3A_8 = tpu.memref_squeeze %dma_start3A_7 : memref<1x64x128xf32, #tpu.memory_space<vmem>> -> memref<64x128xf32, #tpu.memory_space<vmem>>
    %dma_start3A_9 = arith.constant 0 : i32
    %dma_start3A_10 = tpu.memref_slice %arg13[%dma_start3A_9] : memref<512xi32, #tpu.memory_space<vmem>> -> memref<64xi32, #tpu.memory_space<vmem>>
    %dma_start3A_11 = arith.constant 0 : i32
    %dma_start3A_12 = arith.constant 0 : i32
    %dma_start3A_13 = tpu.memref_slice %arg5[%dma_start3A_11, %dma_start3A_12] : memref<100000x128xf32, #tpu.memory_space<hbm>> -> memref<100000x128xf32, #tpu.memory_space<hbm>>
    %dma_start3A_14 = tpu.memref_slice %arg26[%dma_start3A_4] : memref<2x!tpu.dma_semaphore, #tpu.memory_space<semaphore_mem>> -> memref<1x!tpu.dma_semaphore, #tpu.memory_space<semaphore_mem>>
    %dma_start3A_15 = tpu.memref_squeeze %dma_start3A_14 : memref<1x!tpu.dma_semaphore, #tpu.memory_space<semaphore_mem>> -> memref<!tpu.dma_semaphore, #tpu.memory_space<semaphore_mem>>
    tpu.enqueue_indirect_dma source(%dma_start3A_13 : memref<100000x128xf32, #tpu.memory_space<hbm>>) target(%dma_start3A_8 : memref<64x128xf32, #tpu.memory_space<vmem>>) offsets(%dma_start3A_10 : memref<64xi32, #tpu.memory_space<vmem>>) semaphore(%dma_start3A_15 : memref<!tpu.dma_semaphore, #tpu.memory_space<semaphore_mem>>)
    %dma_start3A_16 = arith.constant 0 : i32
    %dma_start3A_17 = arith.constant 0 : i32
    %dma_start3A_18 = arith.constant 0 : i32
    %dma_start3A_19 = arith.constant 0 : i32
    %dma_start3A_20 = tpu.memref_slice %arg19[%dma_start3A_16, %dma_start3A_18, %dma_start3A_19] : memref<2x64x128xf32, #tpu.memory_space<vmem>> -> memref<1x64x128xf32, #tpu.memory_space<vmem>>
    %dma_start3A_21 = tpu.memref_squeeze %dma_start3A_20 : memref<1x64x128xf32, #tpu.memory_space<vmem>> -> memref<64x128xf32, #tpu.memory_space<vmem>>
    %dma_start3A_22 = arith.constant 0 : i32
    %dma_start3A_23 = tpu.memref_slice %arg14[%dma_start3A_22] : memref<512xi32, #tpu.memory_space<vmem>> -> memref<64xi32, #tpu.memory_space<vmem>>
    %dma_start3A_24 = arith.constant 0 : i32
    %dma_start3A_25 = arith.constant 0 : i32
    %dma_start3A_26 = tpu.memref_slice %arg5[%dma_start3A_24, %dma_start3A_25] : memref<100000x128xf32, #tpu.memory_space<hbm>> -> memref<100000x128xf32, #tpu.memory_space<hbm>>
    %dma_start3A_27 = tpu.memref_slice %arg26[%dma_start3A_17] : memref<2x!tpu.dma_semaphore, #tpu.memory_space<semaphore_mem>> -> memref<1x!tpu.dma_semaphore, #tpu.memory_space<semaphore_mem>>
    %dma_start3A_28 = tpu.memref_squeeze %dma_start3A_27 : memref<1x!tpu.dma_semaphore, #tpu.memory_space<semaphore_mem>> -> memref<!tpu.dma_semaphore, #tpu.memory_space<semaphore_mem>>
    tpu.enqueue_indirect_dma source(%dma_start3A_26 : memref<100000x128xf32, #tpu.memory_space<hbm>>) target(%dma_start3A_21 : memref<64x128xf32, #tpu.memory_space<vmem>>) offsets(%dma_start3A_23 : memref<64xi32, #tpu.memory_space<vmem>>) semaphore(%dma_start3A_28 : memref<!tpu.dma_semaphore, #tpu.memory_space<semaphore_mem>>)
    %dma_start3A_29 = arith.constant 0 : i32
    %dma_start3A_30 = arith.constant 0 : i32
    %dma_start3A_31 = arith.constant 0 : i32
    %dma_start3A_32 = arith.constant 0 : i32
    %dma_start3A_33 = tpu.memref_slice %arg20[%dma_start3A_29, %dma_start3A_31, %dma_start3A_32] : memref<2x64x128xf32, #tpu.memory_space<vmem>> -> memref<1x64x128xf32, #tpu.memory_space<vmem>>
    %dma_start3A_34 = tpu.memref_squeeze %dma_start3A_33 : memref<1x64x128xf32, #tpu.memory_space<vmem>> -> memref<64x128xf32, #tpu.memory_space<vmem>>
    %dma_start3A_35 = arith.constant 0 : i32
    %dma_start3A_36 = tpu.memref_slice %arg13[%dma_start3A_35] : memref<512xi32, #tpu.memory_space<vmem>> -> memref<64xi32, #tpu.memory_space<vmem>>
    %dma_start3A_37 = arith.constant 0 : i32
    %dma_start3A_38 = arith.constant 0 : i32
    %dma_start3A_39 = tpu.memref_slice %arg10[%dma_start3A_37, %dma_start3A_38] : memref<100000x128xf32, #tpu.memory_space<hbm>> -> memref<100000x128xf32, #tpu.memory_space<hbm>>
    %dma_start3A_40 = tpu.memref_slice %arg26[%dma_start3A_30] : memref<2x!tpu.dma_semaphore, #tpu.memory_space<semaphore_mem>> -> memref<1x!tpu.dma_semaphore, #tpu.memory_space<semaphore_mem>>
    %dma_start3A_41 = tpu.memref_squeeze %dma_start3A_40 : memref<1x!tpu.dma_semaphore, #tpu.memory_space<semaphore_mem>> -> memref<!tpu.dma_semaphore, #tpu.memory_space<semaphore_mem>>
    tpu.enqueue_indirect_dma source(%dma_start3A_39 : memref<100000x128xf32, #tpu.memory_space<hbm>>) target(%dma_start3A_34 : memref<64x128xf32, #tpu.memory_space<vmem>>) offsets(%dma_start3A_36 : memref<64xi32, #tpu.memory_space<vmem>>) semaphore(%dma_start3A_41 : memref<!tpu.dma_semaphore, #tpu.memory_space<semaphore_mem>>)
    %dma_start3A_42 = arith.constant 0 : i32
    %dma_start3A_43 = arith.constant 0 : i32
    %dma_start3A_44 = arith.constant 0 : i32
    %dma_start3A_45 = arith.constant 0 : i32
    %dma_start3A_46 = tpu.memref_slice %arg21[%dma_start3A_42, %dma_start3A_44, %dma_start3A_45] : memref<2x64x128xf32, #tpu.memory_space<vmem>> -> memref<1x64x128xf32, #tpu.memory_space<vmem>>
    %dma_start3A_47 = tpu.memref_squeeze %dma_start3A_46 : memref<1x64x128xf32, #tpu.memory_space<vmem>> -> memref<64x128xf32, #tpu.memory_space<vmem>>
    %dma_start3A_48 = arith.constant 0 : i32
    %dma_start3A_49 = tpu.memref_slice %arg14[%dma_start3A_48] : memref<512xi32, #tpu.memory_space<vmem>> -> memref<64xi32, #tpu.memory_space<vmem>>
    %dma_start3A_50 = arith.constant 0 : i32
    %dma_start3A_51 = arith.constant 0 : i32
    %dma_start3A_52 = tpu.memref_slice %arg10[%dma_start3A_50, %dma_start3A_51] : memref<100000x128xf32, #tpu.memory_space<hbm>> -> memref<100000x128xf32, #tpu.memory_space<hbm>>
    %dma_start3A_53 = tpu.memref_slice %arg26[%dma_start3A_43] : memref<2x!tpu.dma_semaphore, #tpu.memory_space<semaphore_mem>> -> memref<1x!tpu.dma_semaphore, #tpu.memory_space<semaphore_mem>>
    %dma_start3A_54 = tpu.memref_squeeze %dma_start3A_53 : memref<1x!tpu.dma_semaphore, #tpu.memory_space<semaphore_mem>> -> memref<!tpu.dma_semaphore, #tpu.memory_space<semaphore_mem>>
    tpu.enqueue_indirect_dma source(%dma_start3A_52 : memref<100000x128xf32, #tpu.memory_space<hbm>>) target(%dma_start3A_47 : memref<64x128xf32, #tpu.memory_space<vmem>>) offsets(%dma_start3A_49 : memref<64xi32, #tpu.memory_space<vmem>>) semaphore(%dma_start3A_54 : memref<!tpu.dma_semaphore, #tpu.memory_space<semaphore_mem>>)
    %dma_start3A_55 = arith.constant 0 : i32
    %dma_start3A_56 = arith.constant 0 : i32
    %dma_start3A_57 = arith.constant 0 : i32
    %dma_start3A_58 = arith.constant 0 : i32
    %dma_start3A_59 = tpu.memref_slice %arg22[%dma_start3A_55, %dma_start3A_57, %dma_start3A_58] : memref<2x64x128xf32, #tpu.memory_space<vmem>> -> memref<1x64x128xf32, #tpu.memory_space<vmem>>
    %dma_start3A_60 = tpu.memref_squeeze %dma_start3A_59 : memref<1x64x128xf32, #tpu.memory_space<vmem>> -> memref<64x128xf32, #tpu.memory_space<vmem>>
    %dma_start3A_61 = arith.constant 0 : i32
    %dma_start3A_62 = tpu.memref_slice %arg15[%dma_start3A_61] : memref<512xi32, #tpu.memory_space<vmem>> -> memref<64xi32, #tpu.memory_space<vmem>>
    %dma_start3A_63 = arith.constant 0 : i32
    %dma_start3A_64 = arith.constant 0 : i32
    %dma_start3A_65 = tpu.memref_slice %arg6[%dma_start3A_63, %dma_start3A_64] : memref<1000x128xf32, #tpu.memory_space<hbm>> -> memref<1000x128xf32, #tpu.memory_space<hbm>>
    %dma_start3A_66 = tpu.memref_slice %arg26[%dma_start3A_56] : memref<2x!tpu.dma_semaphore, #tpu.memory_space<semaphore_mem>> -> memref<1x!tpu.dma_semaphore, #tpu.memory_space<semaphore_mem>>
    %dma_start3A_67 = tpu.memref_squeeze %dma_start3A_66 : memref<1x!tpu.dma_semaphore, #tpu.memory_space<semaphore_mem>> -> memref<!tpu.dma_semaphore, #tpu.memory_space<semaphore_mem>>
    tpu.enqueue_indirect_dma source(%dma_start3A_65 : memref<1000x128xf32, #tpu.memory_space<hbm>>) target(%dma_start3A_60 : memref<64x128xf32, #tpu.memory_space<vmem>>) offsets(%dma_start3A_62 : memref<64xi32, #tpu.memory_space<vmem>>) semaphore(%dma_start3A_67 : memref<!tpu.dma_semaphore, #tpu.memory_space<semaphore_mem>>)
    %dma_start3A_68 = arith.constant 0 : i32
    %dma_start3A_69 = arith.constant 0 : i32
    %dma_start3A_70 = arith.constant 0 : i32
    %dma_start3A_71 = arith.constant 0 : i32
    %dma_start3A_72 = tpu.memref_slice %arg23[%dma_start3A_68, %dma_start3A_70, %dma_start3A_71] : memref<2x64x128xf32, #tpu.memory_space<vmem>> -> memref<1x64x128xf32, #tpu.memory_space<vmem>>
    %dma_start3A_73 = tpu.memref_squeeze %dma_start3A_72 : memref<1x64x128xf32, #tpu.memory_space<vmem>> -> memref<64x128xf32, #tpu.memory_space<vmem>>
    %dma_start3A_74 = arith.constant 0 : i32
    %dma_start3A_75 = tpu.memref_slice %arg15[%dma_start3A_74] : memref<512xi32, #tpu.memory_space<vmem>> -> memref<64xi32, #tpu.memory_space<vmem>>
    %dma_start3A_76 = arith.constant 0 : i32
    %dma_start3A_77 = arith.constant 0 : i32
    %dma_start3A_78 = tpu.memref_slice %arg7[%dma_start3A_76, %dma_start3A_77] : memref<1000x128xf32, #tpu.memory_space<hbm>> -> memref<1000x128xf32, #tpu.memory_space<hbm>>
    %dma_start3A_79 = tpu.memref_slice %arg26[%dma_start3A_69] : memref<2x!tpu.dma_semaphore, #tpu.memory_space<semaphore_mem>> -> memref<1x!tpu.dma_semaphore, #tpu.memory_space<semaphore_mem>>
    %dma_start3A_80 = tpu.memref_squeeze %dma_start3A_79 : memref<1x!tpu.dma_semaphore, #tpu.memory_space<semaphore_mem>> -> memref<!tpu.dma_semaphore, #tpu.memory_space<semaphore_mem>>
    tpu.enqueue_indirect_dma source(%dma_start3A_78 : memref<1000x128xf32, #tpu.memory_space<hbm>>) target(%dma_start3A_73 : memref<64x128xf32, #tpu.memory_space<vmem>>) offsets(%dma_start3A_75 : memref<64xi32, #tpu.memory_space<vmem>>) semaphore(%dma_start3A_80 : memref<!tpu.dma_semaphore, #tpu.memory_space<semaphore_mem>>)
    %dma_start3A_81 = arith.constant 0 : i32
    %dma_start3A_82 = arith.constant 0 : i32
    %dma_start3A_83 = arith.constant 0 : i32
    %dma_start3A_84 = arith.constant 0 : i32
    %dma_start3A_85 = tpu.memref_slice %arg24[%dma_start3A_81, %dma_start3A_83, %dma_start3A_84] : memref<2x64x128xf32, #tpu.memory_space<vmem>> -> memref<1x64x128xf32, #tpu.memory_space<vmem>>
    %dma_start3A_86 = tpu.memref_squeeze %dma_start3A_85 : memref<1x64x128xf32, #tpu.memory_space<vmem>> -> memref<64x128xf32, #tpu.memory_space<vmem>>
    %dma_start3A_87 = arith.constant 0 : i32
    %dma_start3A_88 = tpu.memref_slice %arg15[%dma_start3A_87] : memref<512xi32, #tpu.memory_space<vmem>> -> memref<64xi32, #tpu.memory_space<vmem>>
    %dma_start3A_89 = arith.constant 0 : i32
    %dma_start3A_90 = arith.constant 0 : i32
    %dma_start3A_91 = tpu.memref_slice %arg11[%dma_start3A_89, %dma_start3A_90] : memref<1000x128xf32, #tpu.memory_space<hbm>> -> memref<1000x128xf32, #tpu.memory_space<hbm>>
    %dma_start3A_92 = tpu.memref_slice %arg26[%dma_start3A_82] : memref<2x!tpu.dma_semaphore, #tpu.memory_space<semaphore_mem>> -> memref<1x!tpu.dma_semaphore, #tpu.memory_space<semaphore_mem>>
    %dma_start3A_93 = tpu.memref_squeeze %dma_start3A_92 : memref<1x!tpu.dma_semaphore, #tpu.memory_space<semaphore_mem>> -> memref<!tpu.dma_semaphore, #tpu.memory_space<semaphore_mem>>
    tpu.enqueue_indirect_dma source(%dma_start3A_91 : memref<1000x128xf32, #tpu.memory_space<hbm>>) target(%dma_start3A_86 : memref<64x128xf32, #tpu.memory_space<vmem>>) offsets(%dma_start3A_88 : memref<64xi32, #tpu.memory_space<vmem>>) semaphore(%dma_start3A_93 : memref<!tpu.dma_semaphore, #tpu.memory_space<semaphore_mem>>)
    %dma_start3A_94 = arith.constant 0 : i32
    %dma_start3A_95 = arith.constant 0 : i32
    %dma_start3A_96 = arith.constant 0 : i32
    %dma_start3A_97 = tpu.memref_slice %arg16[%dma_start3A_94, %dma_start3A_96] : memref<2x64xf32, #tpu.memory_space<vmem>> -> memref<1x64xf32, #tpu.memory_space<vmem>>
    %dma_start3A_98 = tpu.memref_squeeze %dma_start3A_97 : memref<1x64xf32, #tpu.memory_space<vmem>> -> memref<64xf32, #tpu.memory_space<vmem>>
    %dma_start3A_99 = arith.constant 0 : i32
    %dma_start3A_100 = tpu.memref_slice %arg13[%dma_start3A_99] : memref<512xi32, #tpu.memory_space<vmem>> -> memref<64xi32, #tpu.memory_space<vmem>>
    %dma_start3A_101 = arith.constant 0 : i32
    %dma_start3A_102 = tpu.memref_slice %arg8[%dma_start3A_101] : memref<100000xf32, #tpu.memory_space<hbm>> -> memref<100000xf32, #tpu.memory_space<hbm>>
    %dma_start3A_103 = tpu.memref_slice %arg26[%dma_start3A_95] : memref<2x!tpu.dma_semaphore, #tpu.memory_space<semaphore_mem>> -> memref<1x!tpu.dma_semaphore, #tpu.memory_space<semaphore_mem>>
    %dma_start3A_104 = tpu.memref_squeeze %dma_start3A_103 : memref<1x!tpu.dma_semaphore, #tpu.memory_space<semaphore_mem>> -> memref<!tpu.dma_semaphore, #tpu.memory_space<semaphore_mem>>
    tpu.enqueue_indirect_dma source(%dma_start3A_102 : memref<100000xf32, #tpu.memory_space<hbm>>) target(%dma_start3A_98 : memref<64xf32, #tpu.memory_space<vmem>>) offsets(%dma_start3A_100 : memref<64xi32, #tpu.memory_space<vmem>>) semaphore(%dma_start3A_104 : memref<!tpu.dma_semaphore, #tpu.memory_space<semaphore_mem>>)
    %dma_start3A_105 = arith.constant 0 : i32
    %dma_start3A_106 = arith.constant 0 : i32
    %dma_start3A_107 = arith.constant 0 : i32
    %dma_start3A_108 = tpu.memref_slice %arg17[%dma_start3A_105, %dma_start3A_107] : memref<2x64xf32, #tpu.memory_space<vmem>> -> memref<1x64xf32, #tpu.memory_space<vmem>>
    %dma_start3A_109 = tpu.memref_squeeze %dma_start3A_108 : memref<1x64xf32, #tpu.memory_space<vmem>> -> memref<64xf32, #tpu.memory_space<vmem>>
    %dma_start3A_110 = arith.constant 0 : i32
    %dma_start3A_111 = tpu.memref_slice %arg14[%dma_start3A_110] : memref<512xi32, #tpu.memory_space<vmem>> -> memref<64xi32, #tpu.memory_space<vmem>>
    %dma_start3A_112 = arith.constant 0 : i32
    %dma_start3A_113 = tpu.memref_slice %arg9[%dma_start3A_112] : memref<100000xf32, #tpu.memory_space<hbm>> -> memref<100000xf32, #tpu.memory_space<hbm>>
    %dma_start3A_114 = tpu.memref_slice %arg26[%dma_start3A_106] : memref<2x!tpu.dma_semaphore, #tpu.memory_space<semaphore_mem>> -> memref<1x!tpu.dma_semaphore, #tpu.memory_space<semaphore_mem>>
    %dma_start3A_115 = tpu.memref_squeeze %dma_start3A_114 : memref<1x!tpu.dma_semaphore, #tpu.memory_space<semaphore_mem>> -> memref<!tpu.dma_semaphore, #tpu.memory_space<semaphore_mem>>
    tpu.enqueue_indirect_dma source(%dma_start3A_113 : memref<100000xf32, #tpu.memory_space<hbm>>) target(%dma_start3A_109 : memref<64xf32, #tpu.memory_space<vmem>>) offsets(%dma_start3A_111 : memref<64xi32, #tpu.memory_space<vmem>>) semaphore(%dma_start3A_115 : memref<!tpu.dma_semaphore, #tpu.memory_space<semaphore_mem>>)
    %scan3A = arith.constant 0 : i32
    %scan3A_116 = arith.constant 0 : i32
    %scan3A_117 = arith.constant 4 : i32
    %scan3A_118 = arith.addi %scan3A_116, %scan3A_117 : i32
    %scan3A_119 = arith.constant 1 : i32
    %scan3A_120 = scf.for %scan3A_122 = %scan3A_116 to %scan3A_118 step %scan3A_119 iter_args(%scan3A_123 = %scan3A) -> (i32)  : i32 {
      %mul3A_124 = arith.constant 2 : i32
      %mul3A_125 = arith.muli %mul3A_124, %scan3A_122 : i32
      %add3A_126 = arith.constant 1 : i32
      %add3A_127 = arith.addi %mul3A_125, %add3A_126 : i32
      %mul3A_128 = arith.constant 64 : i32
      %mul3A_129 = arith.muli %add3A_127, %mul3A_128 : i32
      %mul3A_130 = arith.constant 64 : i32
      %mul3A_131 = arith.muli %add3A_127, %mul3A_130 : i32
      %mul3A_132 = arith.constant 64 : i32
      %mul3A_133 = arith.muli %add3A_127, %mul3A_132 : i32
      %dma_start3A_134 = arith.constant 1 : i32
      %dma_start3A_135 = arith.constant 1 : i32
      %dma_start3A_136 = arith.constant 0 : i32
      %dma_start3A_137 = arith.constant 0 : i32
      %dma_start3A_138 = tpu.memref_slice %arg18[%dma_start3A_134, %dma_start3A_136, %dma_start3A_137] : memref<2x64x128xf32, #tpu.memory_space<vmem>> -> memref<1x64x128xf32, #tpu.memory_space<vmem>>
      %dma_start3A_139 = tpu.memref_squeeze %dma_start3A_138 : memref<1x64x128xf32, #tpu.memory_space<vmem>> -> memref<64x128xf32, #tpu.memory_space<vmem>>
      %dma_start3A_140 = tpu.memref_slice %arg13[%mul3A_129] : memref<512xi32, #tpu.memory_space<vmem>> -> memref<64xi32, #tpu.memory_space<vmem>>
      %dma_start3A_141 = arith.constant 0 : i32
      %dma_start3A_142 = arith.constant 0 : i32
      %dma_start3A_143 = tpu.memref_slice %arg5[%dma_start3A_141, %dma_start3A_142] : memref<100000x128xf32, #tpu.memory_space<hbm>> -> memref<100000x128xf32, #tpu.memory_space<hbm>>
      %dma_start3A_144 = tpu.memref_slice %arg26[%dma_start3A_135] : memref<2x!tpu.dma_semaphore, #tpu.memory_space<semaphore_mem>> -> memref<1x!tpu.dma_semaphore, #tpu.memory_space<semaphore_mem>>
      %dma_start3A_145 = tpu.memref_squeeze %dma_start3A_144 : memref<1x!tpu.dma_semaphore, #tpu.memory_space<semaphore_mem>> -> memref<!tpu.dma_semaphore, #tpu.memory_space<semaphore_mem>>
      tpu.enqueue_indirect_dma source(%dma_start3A_143 : memref<100000x128xf32, #tpu.memory_space<hbm>>) target(%dma_start3A_139 : memref<64x128xf32, #tpu.memory_space<vmem>>) offsets(%dma_start3A_140 : memref<64xi32, #tpu.memory_space<vmem>>) semaphore(%dma_start3A_145 : memref<!tpu.dma_semaphore, #tpu.memory_space<semaphore_mem>>)
      %dma_start3A_146 = arith.constant 1 : i32
      %dma_start3A_147 = arith.constant 1 : i32
      %dma_start3A_148 = arith.constant 0 : i32
      %dma_start3A_149 = arith.constant 0 : i32
      %dma_start3A_150 = tpu.memref_slice %arg19[%dma_start3A_146, %dma_start3A_148, %dma_start3A_149] : memref<2x64x128xf32, #tpu.memory_space<vmem>> -> memref<1x64x128xf32, #tpu.memory_space<vmem>>
      %dma_start3A_151 = tpu.memref_squeeze %dma_start3A_150 : memref<1x64x128xf32, #tpu.memory_space<vmem>> -> memref<64x128xf32, #tpu.memory_space<vmem>>
      %dma_start3A_152 = tpu.memref_slice %arg14[%mul3A_131] : memref<512xi32, #tpu.memory_space<vmem>> -> memref<64xi32, #tpu.memory_space<vmem>>
      %dma_start3A_153 = arith.constant 0 : i32
      %dma_start3A_154 = arith.constant 0 : i32
      %dma_start3A_155 = tpu.memref_slice %arg5[%dma_start3A_153, %dma_start3A_154] : memref<100000x128xf32, #tpu.memory_space<hbm>> -> memref<100000x128xf32, #tpu.memory_space<hbm>>
      %dma_start3A_156 = tpu.memref_slice %arg26[%dma_start3A_147] : memref<2x!tpu.dma_semaphore, #tpu.memory_space<semaphore_mem>> -> memref<1x!tpu.dma_semaphore, #tpu.memory_space<semaphore_mem>>
      %dma_start3A_157 = tpu.memref_squeeze %dma_start3A_156 : memref<1x!tpu.dma_semaphore, #tpu.memory_space<semaphore_mem>> -> memref<!tpu.dma_semaphore, #tpu.memory_space<semaphore_mem>>
      tpu.enqueue_indirect_dma source(%dma_start3A_155 : memref<100000x128xf32, #tpu.memory_space<hbm>>) target(%dma_start3A_151 : memref<64x128xf32, #tpu.memory_space<vmem>>) offsets(%dma_start3A_152 : memref<64xi32, #tpu.memory_space<vmem>>) semaphore(%dma_start3A_157 : memref<!tpu.dma_semaphore, #tpu.memory_space<semaphore_mem>>)
      %dma_start3A_158 = arith.constant 1 : i32
      %dma_start3A_159 = arith.constant 1 : i32
      %dma_start3A_160 = arith.constant 0 : i32
      %dma_start3A_161 = arith.constant 0 : i32
      %dma_start3A_162 = tpu.memref_slice %arg20[%dma_start3A_158, %dma_start3A_160, %dma_start3A_161] : memref<2x64x128xf32, #tpu.memory_space<vmem>> -> memref<1x64x128xf32, #tpu.memory_space<vmem>>
      %dma_start3A_163 = tpu.memref_squeeze %dma_start3A_162 : memref<1x64x128xf32, #tpu.memory_space<vmem>> -> memref<64x128xf32, #tpu.memory_space<vmem>>
      %dma_start3A_164 = tpu.memref_slice %arg13[%mul3A_129] : memref<512xi32, #tpu.memory_space<vmem>> -> memref<64xi32, #tpu.memory_space<vmem>>
      %dma_start3A_165 = arith.constant 0 : i32
      %dma_start3A_166 = arith.constant 0 : i32
      %dma_start3A_167 = tpu.memref_slice %arg10[%dma_start3A_165, %dma_start3A_166] : memref<100000x128xf32, #tpu.memory_space<hbm>> -> memref<100000x128xf32, #tpu.memory_space<hbm>>
      %dma_start3A_168 = tpu.memref_slice %arg26[%dma_start3A_159] : memref<2x!tpu.dma_semaphore, #tpu.memory_space<semaphore_mem>> -> memref<1x!tpu.dma_semaphore, #tpu.memory_space<semaphore_mem>>
      %dma_start3A_169 = tpu.memref_squeeze %dma_start3A_168 : memref<1x!tpu.dma_semaphore, #tpu.memory_space<semaphore_mem>> -> memref<!tpu.dma_semaphore, #tpu.memory_space<semaphore_mem>>
      tpu.enqueue_indirect_dma source(%dma_start3A_167 : memref<100000x128xf32, #tpu.memory_space<hbm>>) target(%dma_start3A_163 : memref<64x128xf32, #tpu.memory_space<vmem>>) offsets(%dma_start3A_164 : memref<64xi32, #tpu.memory_space<vmem>>) semaphore(%dma_start3A_169 : memref<!tpu.dma_semaphore, #tpu.memory_space<semaphore_mem>>)
      %dma_start3A_170 = arith.constant 1 : i32
      %dma_start3A_171 = arith.constant 1 : i32
      %dma_start3A_172 = arith.constant 0 : i32
      %dma_start3A_173 = arith.constant 0 : i32
      %dma_start3A_174 = tpu.memref_slice %arg21[%dma_start3A_170, %dma_start3A_172, %dma_start3A_173] : memref<2x64x128xf32, #tpu.memory_space<vmem>> -> memref<1x64x128xf32, #tpu.memory_space<vmem>>
      %dma_start3A_175 = tpu.memref_squeeze %dma_start3A_174 : memref<1x64x128xf32, #tpu.memory_space<vmem>> -> memref<64x128xf32, #tpu.memory_space<vmem>>
      %dma_start3A_176 = tpu.memref_slice %arg14[%mul3A_131] : memref<512xi32, #tpu.memory_space<vmem>> -> memref<64xi32, #tpu.memory_space<vmem>>
      %dma_start3A_177 = arith.constant 0 : i32
      %dma_start3A_178 = arith.constant 0 : i32
      %dma_start3A_179 = tpu.memref_slice %arg10[%dma_start3A_177, %dma_start3A_178] : memref<100000x128xf32, #tpu.memory_space<hbm>> -> memref<100000x128xf32, #tpu.memory_space<hbm>>
      %dma_start3A_180 = tpu.memref_slice %arg26[%dma_start3A_171] : memref<2x!tpu.dma_semaphore, #tpu.memory_space<semaphore_mem>> -> memref<1x!tpu.dma_semaphore, #tpu.memory_space<semaphore_mem>>
      %dma_start3A_181 = tpu.memref_squeeze %dma_start3A_180 : memref<1x!tpu.dma_semaphore, #tpu.memory_space<semaphore_mem>> -> memref<!tpu.dma_semaphore, #tpu.memory_space<semaphore_mem>>
      tpu.enqueue_indirect_dma source(%dma_start3A_179 : memref<100000x128xf32, #tpu.memory_space<hbm>>) target(%dma_start3A_175 : memref<64x128xf32, #tpu.memory_space<vmem>>) offsets(%dma_start3A_176 : memref<64xi32, #tpu.memory_space<vmem>>) semaphore(%dma_start3A_181 : memref<!tpu.dma_semaphore, #tpu.memory_space<semaphore_mem>>)
      %dma_start3A_182 = arith.constant 1 : i32
      %dma_start3A_183 = arith.constant 1 : i32
      %dma_start3A_184 = arith.constant 0 : i32
      %dma_start3A_185 = arith.constant 0 : i32
      %dma_start3A_186 = tpu.memref_slice %arg22[%dma_start3A_182, %dma_start3A_184, %dma_start3A_185] : memref<2x64x128xf32, #tpu.memory_space<vmem>> -> memref<1x64x128xf32, #tpu.memory_space<vmem>>
      %dma_start3A_187 = tpu.memref_squeeze %dma_start3A_186 : memref<1x64x128xf32, #tpu.memory_space<vmem>> -> memref<64x128xf32, #tpu.memory_space<vmem>>
      %dma_start3A_188 = tpu.memref_slice %arg15[%mul3A_133] : memref<512xi32, #tpu.memory_space<vmem>> -> memref<64xi32, #tpu.memory_space<vmem>>
      %dma_start3A_189 = arith.constant 0 : i32
      %dma_start3A_190 = arith.constant 0 : i32
      %dma_start3A_191 = tpu.memref_slice %arg6[%dma_start3A_189, %dma_start3A_190] : memref<1000x128xf32, #tpu.memory_space<hbm>> -> memref<1000x128xf32, #tpu.memory_space<hbm>>
      %dma_start3A_192 = tpu.memref_slice %arg26[%dma_start3A_183] : memref<2x!tpu.dma_semaphore, #tpu.memory_space<semaphore_mem>> -> memref<1x!tpu.dma_semaphore, #tpu.memory_space<semaphore_mem>>
      %dma_start3A_193 = tpu.memref_squeeze %dma_start3A_192 : memref<1x!tpu.dma_semaphore, #tpu.memory_space<semaphore_mem>> -> memref<!tpu.dma_semaphore, #tpu.memory_space<semaphore_mem>>
      tpu.enqueue_indirect_dma source(%dma_start3A_191 : memref<1000x128xf32, #tpu.memory_space<hbm>>) target(%dma_start3A_187 : memref<64x128xf32, #tpu.memory_space<vmem>>) offsets(%dma_start3A_188 : memref<64xi32, #tpu.memory_space<vmem>>) semaphore(%dma_start3A_193 : memref<!tpu.dma_semaphore, #tpu.memory_space<semaphore_mem>>)
      %dma_start3A_194 = arith.constant 1 : i32
      %dma_start3A_195 = arith.constant 1 : i32
      %dma_start3A_196 = arith.constant 0 : i32
      %dma_start3A_197 = arith.constant 0 : i32
      %dma_start3A_198 = tpu.memref_slice %arg23[%dma_start3A_194, %dma_start3A_196, %dma_start3A_197] : memref<2x64x128xf32, #tpu.memory_space<vmem>> -> memref<1x64x128xf32, #tpu.memory_space<vmem>>
      %dma_start3A_199 = tpu.memref_squeeze %dma_start3A_198 : memref<1x64x128xf32, #tpu.memory_space<vmem>> -> memref<64x128xf32, #tpu.memory_space<vmem>>
      %dma_start3A_200 = tpu.memref_slice %arg15[%mul3A_133] : memref<512xi32, #tpu.memory_space<vmem>> -> memref<64xi32, #tpu.memory_space<vmem>>
      %dma_start3A_201 = arith.constant 0 : i32
      %dma_start3A_202 = arith.constant 0 : i32
      %dma_start3A_203 = tpu.memref_slice %arg7[%dma_start3A_201, %dma_start3A_202] : memref<1000x128xf32, #tpu.memory_space<hbm>> -> memref<1000x128xf32, #tpu.memory_space<hbm>>
      %dma_start3A_204 = tpu.memref_slice %arg26[%dma_start3A_195] : memref<2x!tpu.dma_semaphore, #tpu.memory_space<semaphore_mem>> -> memref<1x!tpu.dma_semaphore, #tpu.memory_space<semaphore_mem>>
      %dma_start3A_205 = tpu.memref_squeeze %dma_start3A_204 : memref<1x!tpu.dma_semaphore, #tpu.memory_space<semaphore_mem>> -> memref<!tpu.dma_semaphore, #tpu.memory_space<semaphore_mem>>
      tpu.enqueue_indirect_dma source(%dma_start3A_203 : memref<1000x128xf32, #tpu.memory_space<hbm>>) target(%dma_start3A_199 : memref<64x128xf32, #tpu.memory_space<vmem>>) offsets(%dma_start3A_200 : memref<64xi32, #tpu.memory_space<vmem>>) semaphore(%dma_start3A_205 : memref<!tpu.dma_semaphore, #tpu.memory_space<semaphore_mem>>)
      %dma_start3A_206 = arith.constant 1 : i32
      %dma_start3A_207 = arith.constant 1 : i32
      %dma_start3A_208 = arith.constant 0 : i32
      %dma_start3A_209 = arith.constant 0 : i32
      %dma_start3A_210 = tpu.memref_slice %arg24[%dma_start3A_206, %dma_start3A_208, %dma_start3A_209] : memref<2x64x128xf32, #tpu.memory_space<vmem>> -> memref<1x64x128xf32, #tpu.memory_space<vmem>>
      %dma_start3A_211 = tpu.memref_squeeze %dma_start3A_210 : memref<1x64x128xf32, #tpu.memory_space<vmem>> -> memref<64x128xf32, #tpu.memory_space<vmem>>
      %dma_start3A_212 = tpu.memref_slice %arg15[%mul3A_133] : memref<512xi32, #tpu.memory_space<vmem>> -> memref<64xi32, #tpu.memory_space<vmem>>
      %dma_start3A_213 = arith.constant 0 : i32
      %dma_start3A_214 = arith.constant 0 : i32
      %dma_start3A_215 = tpu.memref_slice %arg11[%dma_start3A_213, %dma_start3A_214] : memref<1000x128xf32, #tpu.memory_space<hbm>> -> memref<1000x128xf32, #tpu.memory_space<hbm>>
      %dma_start3A_216 = tpu.memref_slice %arg26[%dma_start3A_207] : memref<2x!tpu.dma_semaphore, #tpu.memory_space<semaphore_mem>> -> memref<1x!tpu.dma_semaphore, #tpu.memory_space<semaphore_mem>>
      %dma_start3A_217 = tpu.memref_squeeze %dma_start3A_216 : memref<1x!tpu.dma_semaphore, #tpu.memory_space<semaphore_mem>> -> memref<!tpu.dma_semaphore, #tpu.memory_space<semaphore_mem>>
      tpu.enqueue_indirect_dma source(%dma_start3A_215 : memref<1000x128xf32, #tpu.memory_space<hbm>>) target(%dma_start3A_211 : memref<64x128xf32, #tpu.memory_space<vmem>>) offsets(%dma_start3A_212 : memref<64xi32, #tpu.memory_space<vmem>>) semaphore(%dma_start3A_217 : memref<!tpu.dma_semaphore, #tpu.memory_space<semaphore_mem>>)
      %dma_start3A_218 = arith.constant 1 : i32
      %dma_start3A_219 = arith.constant 1 : i32
      %dma_start3A_220 = arith.constant 0 : i32
      %dma_start3A_221 = tpu.memref_slice %arg16[%dma_start3A_218, %dma_start3A_220] : memref<2x64xf32, #tpu.memory_space<vmem>> -> memref<1x64xf32, #tpu.memory_space<vmem>>
      %dma_start3A_222 = tpu.memref_squeeze %dma_start3A_221 : memref<1x64xf32, #tpu.memory_space<vmem>> -> memref<64xf32, #tpu.memory_space<vmem>>
      %dma_start3A_223 = tpu.memref_slice %arg13[%mul3A_129] : memref<512xi32, #tpu.memory_space<vmem>> -> memref<64xi32, #tpu.memory_space<vmem>>
      %dma_start3A_224 = arith.constant 0 : i32
      %dma_start3A_225 = tpu.memref_slice %arg8[%dma_start3A_224] : memref<100000xf32, #tpu.memory_space<hbm>> -> memref<100000xf32, #tpu.memory_space<hbm>>
      %dma_start3A_226 = tpu.memref_slice %arg26[%dma_start3A_219] : memref<2x!tpu.dma_semaphore, #tpu.memory_space<semaphore_mem>> -> memref<1x!tpu.dma_semaphore, #tpu.memory_space<semaphore_mem>>
      %dma_start3A_227 = tpu.memref_squeeze %dma_start3A_226 : memref<1x!tpu.dma_semaphore, #tpu.memory_space<semaphore_mem>> -> memref<!tpu.dma_semaphore, #tpu.memory_space<semaphore_mem>>
      tpu.enqueue_indirect_dma source(%dma_start3A_225 : memref<100000xf32, #tpu.memory_space<hbm>>) target(%dma_start3A_222 : memref<64xf32, #tpu.memory_space<vmem>>) offsets(%dma_start3A_223 : memref<64xi32, #tpu.memory_space<vmem>>) semaphore(%dma_start3A_227 : memref<!tpu.dma_semaphore, #tpu.memory_space<semaphore_mem>>)
      %dma_start3A_228 = arith.constant 1 : i32
      %dma_start3A_229 = arith.constant 1 : i32
      %dma_start3A_230 = arith.constant 0 : i32
      %dma_start3A_231 = tpu.memref_slice %arg17[%dma_start3A_228, %dma_start3A_230] : memref<2x64xf32, #tpu.memory_space<vmem>> -> memref<1x64xf32, #tpu.memory_space<vmem>>
      %dma_start3A_232 = tpu.memref_squeeze %dma_start3A_231 : memref<1x64xf32, #tpu.memory_space<vmem>> -> memref<64xf32, #tpu.memory_space<vmem>>
      %dma_start3A_233 = tpu.memref_slice %arg14[%mul3A_131] : memref<512xi32, #tpu.memory_space<vmem>> -> memref<64xi32, #tpu.memory_space<vmem>>
      %dma_start3A_234 = arith.constant 0 : i32
      %dma_start3A_235 = tpu.memref_slice %arg9[%dma_start3A_234] : memref<100000xf32, #tpu.memory_space<hbm>> -> memref<100000xf32, #tpu.memory_space<hbm>>
      %dma_start3A_236 = tpu.memref_slice %arg26[%dma_start3A_229] : memref<2x!tpu.dma_semaphore, #tpu.memory_space<semaphore_mem>> -> memref<1x!tpu.dma_semaphore, #tpu.memory_space<semaphore_mem>>
      %dma_start3A_237 = tpu.memref_squeeze %dma_start3A_236 : memref<1x!tpu.dma_semaphore, #tpu.memory_space<semaphore_mem>> -> memref<!tpu.dma_semaphore, #tpu.memory_space<semaphore_mem>>
      tpu.enqueue_indirect_dma source(%dma_start3A_235 : memref<100000xf32, #tpu.memory_space<hbm>>) target(%dma_start3A_232 : memref<64xf32, #tpu.memory_space<vmem>>) offsets(%dma_start3A_233 : memref<64xi32, #tpu.memory_space<vmem>>) semaphore(%dma_start3A_237 : memref<!tpu.dma_semaphore, #tpu.memory_space<semaphore_mem>>)
      %mul3A_238 = arith.constant 64 : i32
      %mul3A_239 = arith.muli %mul3A_125, %mul3A_238 : i32
      %mul3A_240 = arith.constant 64 : i32
      %mul3A_241 = arith.muli %mul3A_125, %mul3A_240 : i32
      %mul3A_242 = arith.constant 64 : i32
      %mul3A_243 = arith.muli %mul3A_125, %mul3A_242 : i32
      %dma_wait3A = arith.constant 0 : i32
      %dma_wait3A_244 = arith.constant 0 : i32
      %dma_wait3A_245 = arith.constant 0 : i32
      %dma_wait3A_246 = arith.constant 0 : i32
      %dma_wait3A_247 = tpu.memref_slice %arg18[%dma_wait3A, %dma_wait3A_245, %dma_wait3A_246] : memref<2x64x128xf32, #tpu.memory_space<vmem>> -> memref<1x64x128xf32, #tpu.memory_space<vmem>>
      %dma_wait3A_248 = tpu.memref_squeeze %dma_wait3A_247 : memref<1x64x128xf32, #tpu.memory_space<vmem>> -> memref<64x128xf32, #tpu.memory_space<vmem>>
      %dma_wait3A_249 = tpu.memref_slice %arg13[%mul3A_239] : memref<512xi32, #tpu.memory_space<vmem>> -> memref<64xi32, #tpu.memory_space<vmem>>
      %dma_wait3A_250 = arith.constant 0 : i32
      %dma_wait3A_251 = arith.constant 0 : i32
      %dma_wait3A_252 = tpu.memref_slice %arg5[%dma_wait3A_250, %dma_wait3A_251] : memref<100000x128xf32, #tpu.memory_space<hbm>> -> memref<100000x128xf32, #tpu.memory_space<hbm>>
      %dma_wait3A_253 = tpu.memref_slice %arg26[%dma_wait3A_244] : memref<2x!tpu.dma_semaphore, #tpu.memory_space<semaphore_mem>> -> memref<1x!tpu.dma_semaphore, #tpu.memory_space<semaphore_mem>>
      %dma_wait3A_254 = tpu.memref_squeeze %dma_wait3A_253 : memref<1x!tpu.dma_semaphore, #tpu.memory_space<semaphore_mem>> -> memref<!tpu.dma_semaphore, #tpu.memory_space<semaphore_mem>>
      tpu.wait_indirect_dma semaphore(%dma_wait3A_254 : memref<!tpu.dma_semaphore, #tpu.memory_space<semaphore_mem>>) src(%dma_wait3A_252 : memref<100000x128xf32, #tpu.memory_space<hbm>>) dst(%dma_wait3A_248 : memref<64x128xf32, #tpu.memory_space<vmem>>)
      %dma_wait3A_255 = arith.constant 0 : i32
      %dma_wait3A_256 = arith.constant 0 : i32
      %dma_wait3A_257 = arith.constant 0 : i32
      %dma_wait3A_258 = arith.constant 0 : i32
      %dma_wait3A_259 = tpu.memref_slice %arg19[%dma_wait3A_255, %dma_wait3A_257, %dma_wait3A_258] : memref<2x64x128xf32, #tpu.memory_space<vmem>> -> memref<1x64x128xf32, #tpu.memory_space<vmem>>
      %dma_wait3A_260 = tpu.memref_squeeze %dma_wait3A_259 : memref<1x64x128xf32, #tpu.memory_space<vmem>> -> memref<64x128xf32, #tpu.memory_space<vmem>>
      %dma_wait3A_261 = tpu.memref_slice %arg14[%mul3A_241] : memref<512xi32, #tpu.memory_space<vmem>> -> memref<64xi32, #tpu.memory_space<vmem>>
      %dma_wait3A_262 = arith.constant 0 : i32
      %dma_wait3A_263 = arith.constant 0 : i32
      %dma_wait3A_264 = tpu.memref_slice %arg5[%dma_wait3A_262, %dma_wait3A_263] : memref<100000x128xf32, #tpu.memory_space<hbm>> -> memref<100000x128xf32, #tpu.memory_space<hbm>>
      %dma_wait3A_265 = tpu.memref_slice %arg26[%dma_wait3A_256] : memref<2x!tpu.dma_semaphore, #tpu.memory_space<semaphore_mem>> -> memref<1x!tpu.dma_semaphore, #tpu.memory_space<semaphore_mem>>
      %dma_wait3A_266 = tpu.memref_squeeze %dma_wait3A_265 : memref<1x!tpu.dma_semaphore, #tpu.memory_space<semaphore_mem>> -> memref<!tpu.dma_semaphore, #tpu.memory_space<semaphore_mem>>
      tpu.wait_indirect_dma semaphore(%dma_wait3A_266 : memref<!tpu.dma_semaphore, #tpu.memory_space<semaphore_mem>>) src(%dma_wait3A_264 : memref<100000x128xf32, #tpu.memory_space<hbm>>) dst(%dma_wait3A_260 : memref<64x128xf32, #tpu.memory_space<vmem>>)
      %dma_wait3A_267 = arith.constant 0 : i32
      %dma_wait3A_268 = arith.constant 0 : i32
      %dma_wait3A_269 = arith.constant 0 : i32
      %dma_wait3A_270 = arith.constant 0 : i32
      %dma_wait3A_271 = tpu.memref_slice %arg20[%dma_wait3A_267, %dma_wait3A_269, %dma_wait3A_270] : memref<2x64x128xf32, #tpu.memory_space<vmem>> -> memref<1x64x128xf32, #tpu.memory_space<vmem>>
      %dma_wait3A_272 = tpu.memref_squeeze %dma_wait3A_271 : memref<1x64x128xf32, #tpu.memory_space<vmem>> -> memref<64x128xf32, #tpu.memory_space<vmem>>
      %dma_wait3A_273 = tpu.memref_slice %arg13[%mul3A_239] : memref<512xi32, #tpu.memory_space<vmem>> -> memref<64xi32, #tpu.memory_space<vmem>>
      %dma_wait3A_274 = arith.constant 0 : i32
      %dma_wait3A_275 = arith.constant 0 : i32
      %dma_wait3A_276 = tpu.memref_slice %arg10[%dma_wait3A_274, %dma_wait3A_275] : memref<100000x128xf32, #tpu.memory_space<hbm>> -> memref<100000x128xf32, #tpu.memory_space<hbm>>
      %dma_wait3A_277 = tpu.memref_slice %arg26[%dma_wait3A_268] : memref<2x!tpu.dma_semaphore, #tpu.memory_space<semaphore_mem>> -> memref<1x!tpu.dma_semaphore, #tpu.memory_space<semaphore_mem>>
      %dma_wait3A_278 = tpu.memref_squeeze %dma_wait3A_277 : memref<1x!tpu.dma_semaphore, #tpu.memory_space<semaphore_mem>> -> memref<!tpu.dma_semaphore, #tpu.memory_space<semaphore_mem>>
      tpu.wait_indirect_dma semaphore(%dma_wait3A_278 : memref<!tpu.dma_semaphore, #tpu.memory_space<semaphore_mem>>) src(%dma_wait3A_276 : memref<100000x128xf32, #tpu.memory_space<hbm>>) dst(%dma_wait3A_272 : memref<64x128xf32, #tpu.memory_space<vmem>>)
      %dma_wait3A_279 = arith.constant 0 : i32
      %dma_wait3A_280 = arith.constant 0 : i32
      %dma_wait3A_281 = arith.constant 0 : i32
      %dma_wait3A_282 = arith.constant 0 : i32
      %dma_wait3A_283 = tpu.memref_slice %arg21[%dma_wait3A_279, %dma_wait3A_281, %dma_wait3A_282] : memref<2x64x128xf32, #tpu.memory_space<vmem>> -> memref<1x64x128xf32, #tpu.memory_space<vmem>>
      %dma_wait3A_284 = tpu.memref_squeeze %dma_wait3A_283 : memref<1x64x128xf32, #tpu.memory_space<vmem>> -> memref<64x128xf32, #tpu.memory_space<vmem>>
      %dma_wait3A_285 = tpu.memref_slice %arg14[%mul3A_241] : memref<512xi32, #tpu.memory_space<vmem>> -> memref<64xi32, #tpu.memory_space<vmem>>
      %dma_wait3A_286 = arith.constant 0 : i32
      %dma_wait3A_287 = arith.constant 0 : i32
      %dma_wait3A_288 = tpu.memref_slice %arg10[%dma_wait3A_286, %dma_wait3A_287] : memref<100000x128xf32, #tpu.memory_space<hbm>> -> memref<100000x128xf32, #tpu.memory_space<hbm>>
      %dma_wait3A_289 = tpu.memref_slice %arg26[%dma_wait3A_280] : memref<2x!tpu.dma_semaphore, #tpu.memory_space<semaphore_mem>> -> memref<1x!tpu.dma_semaphore, #tpu.memory_space<semaphore_mem>>
      %dma_wait3A_290 = tpu.memref_squeeze %dma_wait3A_289 : memref<1x!tpu.dma_semaphore, #tpu.memory_space<semaphore_mem>> -> memref<!tpu.dma_semaphore, #tpu.memory_space<semaphore_mem>>
      tpu.wait_indirect_dma semaphore(%dma_wait3A_290 : memref<!tpu.dma_semaphore, #tpu.memory_space<semaphore_mem>>) src(%dma_wait3A_288 : memref<100000x128xf32, #tpu.memory_space<hbm>>) dst(%dma_wait3A_284 : memref<64x128xf32, #tpu.memory_space<vmem>>)
      %dma_wait3A_291 = arith.constant 0 : i32
      %dma_wait3A_292 = arith.constant 0 : i32
      %dma_wait3A_293 = arith.constant 0 : i32
      %dma_wait3A_294 = arith.constant 0 : i32
      %dma_wait3A_295 = tpu.memref_slice %arg22[%dma_wait3A_291, %dma_wait3A_293, %dma_wait3A_294] : memref<2x64x128xf32, #tpu.memory_space<vmem>> -> memref<1x64x128xf32, #tpu.memory_space<vmem>>
      %dma_wait3A_296 = tpu.memref_squeeze %dma_wait3A_295 : memref<1x64x128xf32, #tpu.memory_space<vmem>> -> memref<64x128xf32, #tpu.memory_space<vmem>>
      %dma_wait3A_297 = tpu.memref_slice %arg15[%mul3A_243] : memref<512xi32, #tpu.memory_space<vmem>> -> memref<64xi32, #tpu.memory_space<vmem>>
      %dma_wait3A_298 = arith.constant 0 : i32
      %dma_wait3A_299 = arith.constant 0 : i32
      %dma_wait3A_300 = tpu.memref_slice %arg6[%dma_wait3A_298, %dma_wait3A_299] : memref<1000x128xf32, #tpu.memory_space<hbm>> -> memref<1000x128xf32, #tpu.memory_space<hbm>>
      %dma_wait3A_301 = tpu.memref_slice %arg26[%dma_wait3A_292] : memref<2x!tpu.dma_semaphore, #tpu.memory_space<semaphore_mem>> -> memref<1x!tpu.dma_semaphore, #tpu.memory_space<semaphore_mem>>
      %dma_wait3A_302 = tpu.memref_squeeze %dma_wait3A_301 : memref<1x!tpu.dma_semaphore, #tpu.memory_space<semaphore_mem>> -> memref<!tpu.dma_semaphore, #tpu.memory_space<semaphore_mem>>
      tpu.wait_indirect_dma semaphore(%dma_wait3A_302 : memref<!tpu.dma_semaphore, #tpu.memory_space<semaphore_mem>>) src(%dma_wait3A_300 : memref<1000x128xf32, #tpu.memory_space<hbm>>) dst(%dma_wait3A_296 : memref<64x128xf32, #tpu.memory_space<vmem>>)
      %dma_wait3A_303 = arith.constant 0 : i32
      %dma_wait3A_304 = arith.constant 0 : i32
      %dma_wait3A_305 = arith.constant 0 : i32
      %dma_wait3A_306 = arith.constant 0 : i32
      %dma_wait3A_307 = tpu.memref_slice %arg23[%dma_wait3A_303, %dma_wait3A_305, %dma_wait3A_306] : memref<2x64x128xf32, #tpu.memory_space<vmem>> -> memref<1x64x128xf32, #tpu.memory_space<vmem>>
      %dma_wait3A_308 = tpu.memref_squeeze %dma_wait3A_307 : memref<1x64x128xf32, #tpu.memory_space<vmem>> -> memref<64x128xf32, #tpu.memory_space<vmem>>
      %dma_wait3A_309 = tpu.memref_slice %arg15[%mul3A_243] : memref<512xi32, #tpu.memory_space<vmem>> -> memref<64xi32, #tpu.memory_space<vmem>>
      %dma_wait3A_310 = arith.constant 0 : i32
      %dma_wait3A_311 = arith.constant 0 : i32
      %dma_wait3A_312 = tpu.memref_slice %arg7[%dma_wait3A_310, %dma_wait3A_311] : memref<1000x128xf32, #tpu.memory_space<hbm>> -> memref<1000x128xf32, #tpu.memory_space<hbm>>
      %dma_wait3A_313 = tpu.memref_slice %arg26[%dma_wait3A_304] : memref<2x!tpu.dma_semaphore, #tpu.memory_space<semaphore_mem>> -> memref<1x!tpu.dma_semaphore, #tpu.memory_space<semaphore_mem>>
      %dma_wait3A_314 = tpu.memref_squeeze %dma_wait3A_313 : memref<1x!tpu.dma_semaphore, #tpu.memory_space<semaphore_mem>> -> memref<!tpu.dma_semaphore, #tpu.memory_space<semaphore_mem>>
      tpu.wait_indirect_dma semaphore(%dma_wait3A_314 : memref<!tpu.dma_semaphore, #tpu.memory_space<semaphore_mem>>) src(%dma_wait3A_312 : memref<1000x128xf32, #tpu.memory_space<hbm>>) dst(%dma_wait3A_308 : memref<64x128xf32, #tpu.memory_space<vmem>>)
      %dma_wait3A_315 = arith.constant 0 : i32
      %dma_wait3A_316 = arith.constant 0 : i32
      %dma_wait3A_317 = arith.constant 0 : i32
      %dma_wait3A_318 = arith.constant 0 : i32
      %dma_wait3A_319 = tpu.memref_slice %arg24[%dma_wait3A_315, %dma_wait3A_317, %dma_wait3A_318] : memref<2x64x128xf32, #tpu.memory_space<vmem>> -> memref<1x64x128xf32, #tpu.memory_space<vmem>>
      %dma_wait3A_320 = tpu.memref_squeeze %dma_wait3A_319 : memref<1x64x128xf32, #tpu.memory_space<vmem>> -> memref<64x128xf32, #tpu.memory_space<vmem>>
      %dma_wait3A_321 = tpu.memref_slice %arg15[%mul3A_243] : memref<512xi32, #tpu.memory_space<vmem>> -> memref<64xi32, #tpu.memory_space<vmem>>
      %dma_wait3A_322 = arith.constant 0 : i32
      %dma_wait3A_323 = arith.constant 0 : i32
      %dma_wait3A_324 = tpu.memref_slice %arg11[%dma_wait3A_322, %dma_wait3A_323] : memref<1000x128xf32, #tpu.memory_space<hbm>> -> memref<1000x128xf32, #tpu.memory_space<hbm>>
      %dma_wait3A_325 = tpu.memref_slice %arg26[%dma_wait3A_316] : memref<2x!tpu.dma_semaphore, #tpu.memory_space<semaphore_mem>> -> memref<1x!tpu.dma_semaphore, #tpu.memory_space<semaphore_mem>>
      %dma_wait3A_326 = tpu.memref_squeeze %dma_wait3A_325 : memref<1x!tpu.dma_semaphore, #tpu.memory_space<semaphore_mem>> -> memref<!tpu.dma_semaphore, #tpu.memory_space<semaphore_mem>>
      tpu.wait_indirect_dma semaphore(%dma_wait3A_326 : memref<!tpu.dma_semaphore, #tpu.memory_space<semaphore_mem>>) src(%dma_wait3A_324 : memref<1000x128xf32, #tpu.memory_space<hbm>>) dst(%dma_wait3A_320 : memref<64x128xf32, #tpu.memory_space<vmem>>)
      %dma_wait3A_327 = arith.constant 0 : i32
      %dma_wait3A_328 = arith.constant 0 : i32
      %dma_wait3A_329 = arith.constant 0 : i32
      %dma_wait3A_330 = tpu.memref_slice %arg16[%dma_wait3A_327, %dma_wait3A_329] : memref<2x64xf32, #tpu.memory_space<vmem>> -> memref<1x64xf32, #tpu.memory_space<vmem>>
      %dma_wait3A_331 = tpu.memref_squeeze %dma_wait3A_330 : memref<1x64xf32, #tpu.memory_space<vmem>> -> memref<64xf32, #tpu.memory_space<vmem>>
      %dma_wait3A_332 = tpu.memref_slice %arg13[%mul3A_239] : memref<512xi32, #tpu.memory_space<vmem>> -> memref<64xi32, #tpu.memory_space<vmem>>
      %dma_wait3A_333 = arith.constant 0 : i32
      %dma_wait3A_334 = tpu.memref_slice %arg8[%dma_wait3A_333] : memref<100000xf32, #tpu.memory_space<hbm>> -> memref<100000xf32, #tpu.memory_space<hbm>>
      %dma_wait3A_335 = tpu.memref_slice %arg26[%dma_wait3A_328] : memref<2x!tpu.dma_semaphore, #tpu.memory_space<semaphore_mem>> -> memref<1x!tpu.dma_semaphore, #tpu.memory_space<semaphore_mem>>
      %dma_wait3A_336 = tpu.memref_squeeze %dma_wait3A_335 : memref<1x!tpu.dma_semaphore, #tpu.memory_space<semaphore_mem>> -> memref<!tpu.dma_semaphore, #tpu.memory_space<semaphore_mem>>
      tpu.wait_indirect_dma semaphore(%dma_wait3A_336 : memref<!tpu.dma_semaphore, #tpu.memory_space<semaphore_mem>>) src(%dma_wait3A_334 : memref<100000xf32, #tpu.memory_space<hbm>>) dst(%dma_wait3A_331 : memref<64xf32, #tpu.memory_space<vmem>>)
      %dma_wait3A_337 = arith.constant 0 : i32
      %dma_wait3A_338 = arith.constant 0 : i32
      %dma_wait3A_339 = arith.constant 0 : i32
      %dma_wait3A_340 = tpu.memref_slice %arg17[%dma_wait3A_337, %dma_wait3A_339] : memref<2x64xf32, #tpu.memory_space<vmem>> -> memref<1x64xf32, #tpu.memory_space<vmem>>
      %dma_wait3A_341 = tpu.memref_squeeze %dma_wait3A_340 : memref<1x64xf32, #tpu.memory_space<vmem>> -> memref<64xf32, #tpu.memory_space<vmem>>
      %dma_wait3A_342 = tpu.memref_slice %arg14[%mul3A_241] : memref<512xi32, #tpu.memory_space<vmem>> -> memref<64xi32, #tpu.memory_space<vmem>>
      %dma_wait3A_343 = arith.constant 0 : i32
      %dma_wait3A_344 = tpu.memref_slice %arg9[%dma_wait3A_343] : memref<100000xf32, #tpu.memory_space<hbm>> -> memref<100000xf32, #tpu.memory_space<hbm>>
      %dma_wait3A_345 = tpu.memref_slice %arg26[%dma_wait3A_338] : memref<2x!tpu.dma_semaphore, #tpu.memory_space<semaphore_mem>> -> memref<1x!tpu.dma_semaphore, #tpu.memory_space<semaphore_mem>>
      %dma_wait3A_346 = tpu.memref_squeeze %dma_wait3A_345 : memref<1x!tpu.dma_semaphore, #tpu.memory_space<semaphore_mem>> -> memref<!tpu.dma_semaphore, #tpu.memory_space<semaphore_mem>>
      tpu.wait_indirect_dma semaphore(%dma_wait3A_346 : memref<!tpu.dma_semaphore, #tpu.memory_space<semaphore_mem>>) src(%dma_wait3A_344 : memref<100000xf32, #tpu.memory_space<hbm>>) dst(%dma_wait3A_341 : memref<64xf32, #tpu.memory_space<vmem>>)
      %scan3A_347 = arith.constant 0 : i32
      %scan3A_348 = arith.constant 0 : i32
      %scan3A_349 = arith.constant 0 : i32
      %scan3A_350 = arith.constant 0 : i32
      %scan3A_351 = arith.constant 0 : i32
      %scan3A_352 = arith.constant 0 : i32
      %scan3A_353 = arith.constant 0 : i32
      %scan3A_354 = arith.constant 0 : i32
      %scan3A_355 = arith.constant 0 : i32
      %scan3A_356 = arith.constant 0 : i32
      %scan3A_357 = arith.constant 0 : i32
      %scan3A_358 = arith.constant 4 : i32
      %scan3A_359 = arith.addi %scan3A_357, %scan3A_358 : i32
      %scan3A_360 = arith.constant 1 : i32
      %scan3A_361 = scf.for %scan3A_492 = %scan3A_357 to %scan3A_359 step %scan3A_360 iter_args(%scan3A_493 = %scan3A_356) -> (i32)  : i32 {
        %mul3A_494 = arith.constant 16 : i32
        %mul3A_495 = arith.muli %scan3A_492, %mul3A_494 : i32
        %add3A_496 = vector.broadcast %mul3A_495 : i32 to vector<16xi32>
        %add3A_497 = arith.addi %iota3A, %add3A_496 : vector<16xi32>
        %scan3A_498 = arith.constant 0 : i32
        %scan3A_499 = arith.constant 128 : i32
        %scan3A_500 = arith.addi %scan3A_498, %scan3A_499 : i32
        %scan3A_501 = arith.constant 1 : i32
        %scan3A_502:4 = scf.for %scan3A_586 = %scan3A_498 to %scan3A_500 step %scan3A_501 iter_args(%scan3A_587 = %broadcast_in_dim3A_3, %scan3A_588 = %broadcast_in_dim3A_3, %scan3A_589 = %broadcast_in_dim3A_3, %scan3A_590 = %broadcast_in_dim3A_3) -> (vector<16xf32>, vector<16xf32>, vector<16xf32>, vector<16xf32>)  : i32 {
          %add3A_591 = vector.broadcast %scan3A_586 : i32 to vector<16xi32>
          %add3A_592 = arith.addi %add3A_591, %iota3A : vector<16xi32>
          %and3A = arith.constant 127 : i32
          %and3A_593 = vector.broadcast %and3A : i32 to vector<16xi32>
          %and3A_594 = arith.andi %add3A_592, %and3A_593 : vector<16xi32>
          %gather3A = arith.constant 0 : i32
          %gather3A_595 = arith.constant 0 : i32
          %gather3A_596 = tpu.memref_slice %arg18[%scan3A_347, %gather3A, %gather3A_595] : memref<2x64x128xf32, #tpu.memory_space<vmem>> -> memref<1x64x128xf32, #tpu.memory_space<vmem>>
          %gather3A_597 = tpu.memref_squeeze %gather3A_596 : memref<1x64x128xf32, #tpu.memory_space<vmem>> -> memref<64x128xf32, #tpu.memory_space<vmem>>
          %gather3A_598 = tpu.vector_load_idx %gather3A_597[%add3A_497, %and3A_594] : memref<64x128xf32, #tpu.memory_space<vmem>>[vector<16xi32>, vector<16xi32>], vector<16xf32>,
          %gather3A_599 = arith.constant 0 : i32
          %gather3A_600 = arith.constant 0 : i32
          %gather3A_601 = tpu.memref_slice %arg22[%scan3A_348, %gather3A_599, %gather3A_600] : memref<2x64x128xf32, #tpu.memory_space<vmem>> -> memref<1x64x128xf32, #tpu.memory_space<vmem>>
          %gather3A_602 = tpu.memref_squeeze %gather3A_601 : memref<1x64x128xf32, #tpu.memory_space<vmem>> -> memref<64x128xf32, #tpu.memory_space<vmem>>
          %gather3A_603 = tpu.vector_load_idx %gather3A_602[%add3A_497, %and3A_594] : memref<64x128xf32, #tpu.memory_space<vmem>>[vector<16xi32>, vector<16xi32>], vector<16xf32>,
          %mul3A_604 = arith.mulf %gather3A_598, %gather3A_603 : vector<16xf32>
          %gather3A_605 = arith.constant 0 : i32
          %gather3A_606 = arith.constant 0 : i32
          %gather3A_607 = tpu.memref_slice %arg19[%scan3A_349, %gather3A_605, %gather3A_606] : memref<2x64x128xf32, #tpu.memory_space<vmem>> -> memref<1x64x128xf32, #tpu.memory_space<vmem>>
          %gather3A_608 = tpu.memref_squeeze %gather3A_607 : memref<1x64x128xf32, #tpu.memory_space<vmem>> -> memref<64x128xf32, #tpu.memory_space<vmem>>
          %gather3A_609 = tpu.vector_load_idx %gather3A_608[%add3A_497, %and3A_594] : memref<64x128xf32, #tpu.memory_space<vmem>>[vector<16xi32>, vector<16xi32>], vector<16xf32>,
          %gather3A_610 = arith.constant 0 : i32
          %gather3A_611 = arith.constant 0 : i32
          %gather3A_612 = tpu.memref_slice %arg23[%scan3A_350, %gather3A_610, %gather3A_611] : memref<2x64x128xf32, #tpu.memory_space<vmem>> -> memref<1x64x128xf32, #tpu.memory_space<vmem>>
          %gather3A_613 = tpu.memref_squeeze %gather3A_612 : memref<1x64x128xf32, #tpu.memory_space<vmem>> -> memref<64x128xf32, #tpu.memory_space<vmem>>
          %gather3A_614 = tpu.vector_load_idx %gather3A_613[%add3A_497, %and3A_594] : memref<64x128xf32, #tpu.memory_space<vmem>>[vector<16xi32>, vector<16xi32>], vector<16xf32>,
          %add3A_615 = arith.addf %gather3A_609, %gather3A_614 : vector<16xf32>
          %mul3A_616 = arith.mulf %mul3A_604, %mul3A_604 : vector<16xf32>
          %add3A_617 = arith.addf %scan3A_587, %mul3A_616 : vector<16xf32>
          %mul3A_618 = arith.mulf %add3A_615, %add3A_615 : vector<16xf32>
          %add3A_619 = arith.addf %scan3A_588, %mul3A_618 : vector<16xf32>
          %mul3A_620 = arith.mulf %mul3A_604, %add3A_615 : vector<16xf32>
          %add3A_621 = arith.addf %scan3A_589, %mul3A_620 : vector<16xf32>
          %gather3A_622 = arith.constant 0 : i32
          %gather3A_623 = arith.constant 0 : i32
          %gather3A_624 = tpu.memref_slice %arg20[%scan3A_351, %gather3A_622, %gather3A_623] : memref<2x64x128xf32, #tpu.memory_space<vmem>> -> memref<1x64x128xf32, #tpu.memory_space<vmem>>
          %gather3A_625 = tpu.memref_squeeze %gather3A_624 : memref<1x64x128xf32, #tpu.memory_space<vmem>> -> memref<64x128xf32, #tpu.memory_space<vmem>>
          %gather3A_626 = tpu.vector_load_idx %gather3A_625[%add3A_497, %and3A_594] : memref<64x128xf32, #tpu.memory_space<vmem>>[vector<16xi32>, vector<16xi32>], vector<16xf32>,
          %gather3A_627 = arith.constant 0 : i32
          %gather3A_628 = arith.constant 0 : i32
          %gather3A_629 = tpu.memref_slice %arg21[%scan3A_352, %gather3A_627, %gather3A_628] : memref<2x64x128xf32, #tpu.memory_space<vmem>> -> memref<1x64x128xf32, #tpu.memory_space<vmem>>
          %gather3A_630 = tpu.memref_squeeze %gather3A_629 : memref<1x64x128xf32, #tpu.memory_space<vmem>> -> memref<64x128xf32, #tpu.memory_space<vmem>>
          %gather3A_631 = tpu.vector_load_idx %gather3A_630[%add3A_497, %and3A_594] : memref<64x128xf32, #tpu.memory_space<vmem>>[vector<16xi32>, vector<16xi32>], vector<16xf32>,
          %gather3A_632 = arith.constant 0 : i32
          %gather3A_633 = arith.constant 0 : i32
          %gather3A_634 = tpu.memref_slice %arg24[%scan3A_353, %gather3A_632, %gather3A_633] : memref<2x64x128xf32, #tpu.memory_space<vmem>> -> memref<1x64x128xf32, #tpu.memory_space<vmem>>
          %gather3A_635 = tpu.memref_squeeze %gather3A_634 : memref<1x64x128xf32, #tpu.memory_space<vmem>> -> memref<64x128xf32, #tpu.memory_space<vmem>>
          %gather3A_636 = tpu.vector_load_idx %gather3A_635[%add3A_497, %and3A_594] : memref<64x128xf32, #tpu.memory_space<vmem>>[vector<16xi32>, vector<16xi32>], vector<16xf32>,
          %mul3A_637 = arith.mulf %gather3A_626, %gather3A_603 : vector<16xf32>
          %sub3A_638 = arith.subf %mul3A_637, %gather3A_631 : vector<16xf32>
          %sub3A_639 = arith.subf %sub3A_638, %gather3A_636 : vector<16xf32>
          %mul3A_640 = arith.mulf %sub3A_639, %sub3A_639 : vector<16xf32>
          %add3A_641 = arith.addf %scan3A_590, %mul3A_640 : vector<16xf32>
          scf.yield %add3A_617, %add3A_619, %add3A_621, %add3A_641 : vector<16xf32>, vector<16xf32>, vector<16xf32>, vector<16xf32>
        }
        %scan3A_503 = arith.constant 128 : i32
        %add3A_504 = arith.constant 1.000000e+00 : f32
        %add3A_505 = vector.broadcast %add3A_504 : f32 to vector<16xf32>
        %add3A_506 = arith.addf %scan3A_502#0, %add3A_505 : vector<16xf32>
        %add3A_507 = arith.constant 1.000000e+00 : f32
        %add3A_508 = vector.broadcast %add3A_507 : f32 to vector<16xf32>
        %add3A_509 = arith.addf %scan3A_502#1, %add3A_508 : vector<16xf32>
        %mul3A_510 = arith.mulf %add3A_506, %add3A_509 : vector<16xf32>
        %bitcast3A = vector.bitcast %mul3A_510 : vector<16xf32> to vector<16xi32>
        %shift_right_logical3A = arith.constant 1 : i32
        %shift_right_logical3A_511 = vector.broadcast %shift_right_logical3A : i32 to vector<16xi32>
        %shift_right_logical3A_512 = arith.shrui %bitcast3A, %shift_right_logical3A_511 : vector<16xi32>
        %sub3A = arith.constant 1597463007 : i32
        %sub3A_513 = vector.broadcast %sub3A : i32 to vector<16xi32>
        %sub3A_514 = arith.subi %sub3A_513, %shift_right_logical3A_512 : vector<16xi32>
        %bitcast3A_515 = vector.bitcast %sub3A_514 : vector<16xi32> to vector<16xf32>
        %mul3A_516 = arith.constant 5.000000e-01 : f32
        %mul3A_517 = vector.broadcast %mul3A_516 : f32 to vector<16xf32>
        %mul3A_518 = arith.mulf %mul3A_517, %mul3A_510 : vector<16xf32>
        %mul3A_519 = arith.mulf %mul3A_518, %bitcast3A_515 : vector<16xf32>
        %mul3A_520 = arith.mulf %mul3A_519, %bitcast3A_515 : vector<16xf32>
        %sub3A_521 = arith.constant 1.500000e+00 : f32
        %sub3A_522 = vector.broadcast %sub3A_521 : f32 to vector<16xf32>
        %sub3A_523 = arith.subf %sub3A_522, %mul3A_520 : vector<16xf32>
        %mul3A_524 = arith.mulf %bitcast3A_515, %sub3A_523 : vector<16xf32>
        %mul3A_525 = arith.constant 5.000000e-01 : f32
        %mul3A_526 = vector.broadcast %mul3A_525 : f32 to vector<16xf32>
        %mul3A_527 = arith.mulf %mul3A_526, %mul3A_510 : vector<16xf32>
        %mul3A_528 = arith.mulf %mul3A_527, %mul3A_524 : vector<16xf32>
        %mul3A_529 = arith.mulf %mul3A_528, %mul3A_524 : vector<16xf32>
        %sub3A_530 = arith.constant 1.500000e+00 : f32
        %sub3A_531 = vector.broadcast %sub3A_530 : f32 to vector<16xf32>
        %sub3A_532 = arith.subf %sub3A_531, %mul3A_529 : vector<16xf32>
        %mul3A_533 = arith.mulf %mul3A_524, %sub3A_532 : vector<16xf32>
        %mul3A_534 = arith.constant 5.000000e-01 : f32
        %mul3A_535 = vector.broadcast %mul3A_534 : f32 to vector<16xf32>
        %mul3A_536 = arith.mulf %mul3A_535, %mul3A_510 : vector<16xf32>
        %mul3A_537 = arith.mulf %mul3A_536, %mul3A_533 : vector<16xf32>
        %mul3A_538 = arith.mulf %mul3A_537, %mul3A_533 : vector<16xf32>
        %sub3A_539 = arith.constant 1.500000e+00 : f32
        %sub3A_540 = vector.broadcast %sub3A_539 : f32 to vector<16xf32>
        %sub3A_541 = arith.subf %sub3A_540, %mul3A_538 : vector<16xf32>
        %mul3A_542 = arith.mulf %mul3A_533, %sub3A_541 : vector<16xf32>
        %mul3A_543 = arith.constant 5.000000e-01 : f32
        %mul3A_544 = vector.broadcast %mul3A_543 : f32 to vector<16xf32>
        %mul3A_545 = arith.mulf %mul3A_544, %mul3A_510 : vector<16xf32>
        %mul3A_546 = arith.mulf %mul3A_545, %mul3A_542 : vector<16xf32>
        %mul3A_547 = arith.mulf %mul3A_546, %mul3A_542 : vector<16xf32>
        %sub3A_548 = arith.constant 1.500000e+00 : f32
        %sub3A_549 = vector.broadcast %sub3A_548 : f32 to vector<16xf32>
        %sub3A_550 = arith.subf %sub3A_549, %mul3A_547 : vector<16xf32>
        %mul3A_551 = arith.mulf %mul3A_542, %sub3A_550 : vector<16xf32>
        %mul3A_552 = arith.mulf %mul3A_510, %mul3A_551 : vector<16xf32>
        %mul3A_553 = arith.constant 2.000000e+00 : f32
        %mul3A_554 = vector.broadcast %mul3A_553 : f32 to vector<16xf32>
        %mul3A_555 = arith.mulf %mul3A_554, %scan3A_502#2 : vector<16xf32>
        %add3A_556 = arith.constant 2.000000e+00 : f32
        %add3A_557 = vector.broadcast %add3A_556 : f32 to vector<16xf32>
        %add3A_558 = arith.addf %add3A_557, %mul3A_555 : vector<16xf32>
        %mul3A_559 = arith.constant 2.000000e+00 : f32
        %mul3A_560 = vector.broadcast %mul3A_559 : f32 to vector<16xf32>
        %mul3A_561 = arith.mulf %mul3A_560, %mul3A_552 : vector<16xf32>
        %sub3A_562 = arith.subf %add3A_558, %mul3A_561 : vector<16xf32>
        %sub3A_563 = arith.subf %sub3A_562, %scan3A_502#3 : vector<16xf32>
        %mul3A_564 = arith.constant 16 : i32
        %mul3A_565 = arith.muli %scan3A_492, %mul3A_564 : i32
        %get3A = arith.constant 0 : i32
        %get3A_566 = tpu.memref_slice %arg16[%scan3A_354, %get3A] : memref<2x64xf32, #tpu.memory_space<vmem>> -> memref<1x64xf32, #tpu.memory_space<vmem>>
        %get3A_567 = tpu.memref_squeeze %get3A_566 : memref<1x64xf32, #tpu.memory_space<vmem>> -> memref<64xf32, #tpu.memory_space<vmem>>
        %get3A_568 = arith.index_cast %mul3A_565 : i32 to index
        %get3A_569 = tpu.vector_load %get3A_567[%get3A_568] {strides = array<i32>} : memref<64xf32, #tpu.memory_space<vmem>>, vector<16xf32>,
        %add3A_570 = arith.addf %sub3A_563, %get3A_569 : vector<16xf32>
        %mul3A_571 = arith.constant 16 : i32
        %mul3A_572 = arith.muli %scan3A_492, %mul3A_571 : i32
        %get3A_573 = arith.constant 0 : i32
        %get3A_574 = tpu.memref_slice %arg17[%scan3A_355, %get3A_573] : memref<2x64xf32, #tpu.memory_space<vmem>> -> memref<1x64xf32, #tpu.memory_space<vmem>>
        %get3A_575 = tpu.memref_squeeze %get3A_574 : memref<1x64xf32, #tpu.memory_space<vmem>> -> memref<64xf32, #tpu.memory_space<vmem>>
        %get3A_576 = arith.index_cast %mul3A_572 : i32 to index
        %get3A_577 = tpu.vector_load %get3A_575[%get3A_576] {strides = array<i32>} : memref<64xf32, #tpu.memory_space<vmem>>, vector<16xf32>,
        %add3A_578 = arith.addf %add3A_570, %get3A_577 : vector<16xf32>
        %mul3A_579 = arith.constant 64 : i32
        %mul3A_580 = arith.muli %mul3A_125, %mul3A_579 : i32
        %mul3A_581 = arith.constant 16 : i32
        %mul3A_582 = arith.muli %scan3A_492, %mul3A_581 : i32
        %add3A_583 = arith.addi %mul3A_580, %mul3A_582 : i32
        %swap3A = arith.index_cast %add3A_583 : i32 to index
        %swap3A_584 = tpu.vector_load %arg25[%swap3A] {strides = array<i32>} : memref<512xf32, #tpu.memory_space<vmem>>, vector<16xf32>,
        tpu.vector_store %arg25[%swap3A], %add3A_578 {strides = array<i32>} : memref<512xf32, #tpu.memory_space<vmem>>, vector<16xf32>,
        %scan3A_585 = arith.constant 0 : i32
        scf.yield %scan3A_585 : i32
      }
      %scan3A_362 = arith.constant 4 : i32
      %lt3A = arith.constant 3 : i32
      %lt3A_363 = arith.cmpi slt, %scan3A_122, %lt3A : i32
      %convert_element_type3A = arith.extui %lt3A_363 : i1 to i32
      %cond3A = arith.constant 0 : i32
      %cond3A_364 = arith.cmpi ne, %convert_element_type3A, %cond3A : i32
      scf.if %cond3A_364 {
        %add3A_492 = arith.constant 2 : i32
        %add3A_493 = arith.addi %mul3A_125, %add3A_492 : i32
        %mul3A_494 = arith.constant 64 : i32
        %mul3A_495 = arith.muli %add3A_493, %mul3A_494 : i32
        %mul3A_496 = arith.constant 64 : i32
        %mul3A_497 = arith.muli %add3A_493, %mul3A_496 : i32
        %mul3A_498 = arith.constant 64 : i32
        %mul3A_499 = arith.muli %add3A_493, %mul3A_498 : i32
        %dma_start3A_500 = arith.constant 0 : i32
        %dma_start3A_501 = arith.constant 0 : i32
        %dma_start3A_502 = arith.constant 0 : i32
        %dma_start3A_503 = arith.constant 0 : i32
        %dma_start3A_504 = tpu.memref_slice %arg18[%dma_start3A_500, %dma_start3A_502, %dma_start3A_503] : memref<2x64x128xf32, #tpu.memory_space<vmem>> -> memref<1x64x128xf32, #tpu.memory_space<vmem>>
        %dma_start3A_505 = tpu.memref_squeeze %dma_start3A_504 : memref<1x64x128xf32, #tpu.memory_space<vmem>> -> memref<64x128xf32, #tpu.memory_space<vmem>>
        %dma_start3A_506 = tpu.memref_slice %arg13[%mul3A_495] : memref<512xi32, #tpu.memory_space<vmem>> -> memref<64xi32, #tpu.memory_space<vmem>>
        %dma_start3A_507 = arith.constant 0 : i32
        %dma_start3A_508 = arith.constant 0 : i32
        %dma_start3A_509 = tpu.memref_slice %arg5[%dma_start3A_507, %dma_start3A_508] : memref<100000x128xf32, #tpu.memory_space<hbm>> -> memref<100000x128xf32, #tpu.memory_space<hbm>>
        %dma_start3A_510 = tpu.memref_slice %arg26[%dma_start3A_501] : memref<2x!tpu.dma_semaphore, #tpu.memory_space<semaphore_mem>> -> memref<1x!tpu.dma_semaphore, #tpu.memory_space<semaphore_mem>>
        %dma_start3A_511 = tpu.memref_squeeze %dma_start3A_510 : memref<1x!tpu.dma_semaphore, #tpu.memory_space<semaphore_mem>> -> memref<!tpu.dma_semaphore, #tpu.memory_space<semaphore_mem>>
        tpu.enqueue_indirect_dma source(%dma_start3A_509 : memref<100000x128xf32, #tpu.memory_space<hbm>>) target(%dma_start3A_505 : memref<64x128xf32, #tpu.memory_space<vmem>>) offsets(%dma_start3A_506 : memref<64xi32, #tpu.memory_space<vmem>>) semaphore(%dma_start3A_511 : memref<!tpu.dma_semaphore, #tpu.memory_space<semaphore_mem>>)
        %dma_start3A_512 = arith.constant 0 : i32
        %dma_start3A_513 = arith.constant 0 : i32
        %dma_start3A_514 = arith.constant 0 : i32
        %dma_start3A_515 = arith.constant 0 : i32
        %dma_start3A_516 = tpu.memref_slice %arg19[%dma_start3A_512, %dma_start3A_514, %dma_start3A_515] : memref<2x64x128xf32, #tpu.memory_space<vmem>> -> memref<1x64x128xf32, #tpu.memory_space<vmem>>
        %dma_start3A_517 = tpu.memref_squeeze %dma_start3A_516 : memref<1x64x128xf32, #tpu.memory_space<vmem>> -> memref<64x128xf32, #tpu.memory_space<vmem>>
        %dma_start3A_518 = tpu.memref_slice %arg14[%mul3A_497] : memref<512xi32, #tpu.memory_space<vmem>> -> memref<64xi32, #tpu.memory_space<vmem>>
        %dma_start3A_519 = arith.constant 0 : i32
        %dma_start3A_520 = arith.constant 0 : i32
        %dma_start3A_521 = tpu.memref_slice %arg5[%dma_start3A_519, %dma_start3A_520] : memref<100000x128xf32, #tpu.memory_space<hbm>> -> memref<100000x128xf32, #tpu.memory_space<hbm>>
        %dma_start3A_522 = tpu.memref_slice %arg26[%dma_start3A_513] : memref<2x!tpu.dma_semaphore, #tpu.memory_space<semaphore_mem>> -> memref<1x!tpu.dma_semaphore, #tpu.memory_space<semaphore_mem>>
        %dma_start3A_523 = tpu.memref_squeeze %dma_start3A_522 : memref<1x!tpu.dma_semaphore, #tpu.memory_space<semaphore_mem>> -> memref<!tpu.dma_semaphore, #tpu.memory_space<semaphore_mem>>
        tpu.enqueue_indirect_dma source(%dma_start3A_521 : memref<100000x128xf32, #tpu.memory_space<hbm>>) target(%dma_start3A_517 : memref<64x128xf32, #tpu.memory_space<vmem>>) offsets(%dma_start3A_518 : memref<64xi32, #tpu.memory_space<vmem>>) semaphore(%dma_start3A_523 : memref<!tpu.dma_semaphore, #tpu.memory_space<semaphore_mem>>)
        %dma_start3A_524 = arith.constant 0 : i32
        %dma_start3A_525 = arith.constant 0 : i32
        %dma_start3A_526 = arith.constant 0 : i32
        %dma_start3A_527 = arith.constant 0 : i32
        %dma_start3A_528 = tpu.memref_slice %arg20[%dma_start3A_524, %dma_start3A_526, %dma_start3A_527] : memref<2x64x128xf32, #tpu.memory_space<vmem>> -> memref<1x64x128xf32, #tpu.memory_space<vmem>>
        %dma_start3A_529 = tpu.memref_squeeze %dma_start3A_528 : memref<1x64x128xf32, #tpu.memory_space<vmem>> -> memref<64x128xf32, #tpu.memory_space<vmem>>
        %dma_start3A_530 = tpu.memref_slice %arg13[%mul3A_495] : memref<512xi32, #tpu.memory_space<vmem>> -> memref<64xi32, #tpu.memory_space<vmem>>
        %dma_start3A_531 = arith.constant 0 : i32
        %dma_start3A_532 = arith.constant 0 : i32
        %dma_start3A_533 = tpu.memref_slice %arg10[%dma_start3A_531, %dma_start3A_532] : memref<100000x128xf32, #tpu.memory_space<hbm>> -> memref<100000x128xf32, #tpu.memory_space<hbm>>
        %dma_start3A_534 = tpu.memref_slice %arg26[%dma_start3A_525] : memref<2x!tpu.dma_semaphore, #tpu.memory_space<semaphore_mem>> -> memref<1x!tpu.dma_semaphore, #tpu.memory_space<semaphore_mem>>
        %dma_start3A_535 = tpu.memref_squeeze %dma_start3A_534 : memref<1x!tpu.dma_semaphore, #tpu.memory_space<semaphore_mem>> -> memref<!tpu.dma_semaphore, #tpu.memory_space<semaphore_mem>>
        tpu.enqueue_indirect_dma source(%dma_start3A_533 : memref<100000x128xf32, #tpu.memory_space<hbm>>) target(%dma_start3A_529 : memref<64x128xf32, #tpu.memory_space<vmem>>) offsets(%dma_start3A_530 : memref<64xi32, #tpu.memory_space<vmem>>) semaphore(%dma_start3A_535 : memref<!tpu.dma_semaphore, #tpu.memory_space<semaphore_mem>>)
        %dma_start3A_536 = arith.constant 0 : i32
        %dma_start3A_537 = arith.constant 0 : i32
        %dma_start3A_538 = arith.constant 0 : i32
        %dma_start3A_539 = arith.constant 0 : i32
        %dma_start3A_540 = tpu.memref_slice %arg21[%dma_start3A_536, %dma_start3A_538, %dma_start3A_539] : memref<2x64x128xf32, #tpu.memory_space<vmem>> -> memref<1x64x128xf32, #tpu.memory_space<vmem>>
        %dma_start3A_541 = tpu.memref_squeeze %dma_start3A_540 : memref<1x64x128xf32, #tpu.memory_space<vmem>> -> memref<64x128xf32, #tpu.memory_space<vmem>>
        %dma_start3A_542 = tpu.memref_slice %arg14[%mul3A_497] : memref<512xi32, #tpu.memory_space<vmem>> -> memref<64xi32, #tpu.memory_space<vmem>>
        %dma_start3A_543 = arith.constant 0 : i32
        %dma_start3A_544 = arith.constant 0 : i32
        %dma_start3A_545 = tpu.memref_slice %arg10[%dma_start3A_543, %dma_start3A_544] : memref<100000x128xf32, #tpu.memory_space<hbm>> -> memref<100000x128xf32, #tpu.memory_space<hbm>>
        %dma_start3A_546 = tpu.memref_slice %arg26[%dma_start3A_537] : memref<2x!tpu.dma_semaphore, #tpu.memory_space<semaphore_mem>> -> memref<1x!tpu.dma_semaphore, #tpu.memory_space<semaphore_mem>>
        %dma_start3A_547 = tpu.memref_squeeze %dma_start3A_546 : memref<1x!tpu.dma_semaphore, #tpu.memory_space<semaphore_mem>> -> memref<!tpu.dma_semaphore, #tpu.memory_space<semaphore_mem>>
        tpu.enqueue_indirect_dma source(%dma_start3A_545 : memref<100000x128xf32, #tpu.memory_space<hbm>>) target(%dma_start3A_541 : memref<64x128xf32, #tpu.memory_space<vmem>>) offsets(%dma_start3A_542 : memref<64xi32, #tpu.memory_space<vmem>>) semaphore(%dma_start3A_547 : memref<!tpu.dma_semaphore, #tpu.memory_space<semaphore_mem>>)
        %dma_start3A_548 = arith.constant 0 : i32
        %dma_start3A_549 = arith.constant 0 : i32
        %dma_start3A_550 = arith.constant 0 : i32
        %dma_start3A_551 = arith.constant 0 : i32
        %dma_start3A_552 = tpu.memref_slice %arg22[%dma_start3A_548, %dma_start3A_550, %dma_start3A_551] : memref<2x64x128xf32, #tpu.memory_space<vmem>> -> memref<1x64x128xf32, #tpu.memory_space<vmem>>
        %dma_start3A_553 = tpu.memref_squeeze %dma_start3A_552 : memref<1x64x128xf32, #tpu.memory_space<vmem>> -> memref<64x128xf32, #tpu.memory_space<vmem>>
        %dma_start3A_554 = tpu.memref_slice %arg15[%mul3A_499] : memref<512xi32, #tpu.memory_space<vmem>> -> memref<64xi32, #tpu.memory_space<vmem>>
        %dma_start3A_555 = arith.constant 0 : i32
        %dma_start3A_556 = arith.constant 0 : i32
        %dma_start3A_557 = tpu.memref_slice %arg6[%dma_start3A_555, %dma_start3A_556] : memref<1000x128xf32, #tpu.memory_space<hbm>> -> memref<1000x128xf32, #tpu.memory_space<hbm>>
        %dma_start3A_558 = tpu.memref_slice %arg26[%dma_start3A_549] : memref<2x!tpu.dma_semaphore, #tpu.memory_space<semaphore_mem>> -> memref<1x!tpu.dma_semaphore, #tpu.memory_space<semaphore_mem>>
        %dma_start3A_559 = tpu.memref_squeeze %dma_start3A_558 : memref<1x!tpu.dma_semaphore, #tpu.memory_space<semaphore_mem>> -> memref<!tpu.dma_semaphore, #tpu.memory_space<semaphore_mem>>
        tpu.enqueue_indirect_dma source(%dma_start3A_557 : memref<1000x128xf32, #tpu.memory_space<hbm>>) target(%dma_start3A_553 : memref<64x128xf32, #tpu.memory_space<vmem>>) offsets(%dma_start3A_554 : memref<64xi32, #tpu.memory_space<vmem>>) semaphore(%dma_start3A_559 : memref<!tpu.dma_semaphore, #tpu.memory_space<semaphore_mem>>)
        %dma_start3A_560 = arith.constant 0 : i32
        %dma_start3A_561 = arith.constant 0 : i32
        %dma_start3A_562 = arith.constant 0 : i32
        %dma_start3A_563 = arith.constant 0 : i32
        %dma_start3A_564 = tpu.memref_slice %arg23[%dma_start3A_560, %dma_start3A_562, %dma_start3A_563] : memref<2x64x128xf32, #tpu.memory_space<vmem>> -> memref<1x64x128xf32, #tpu.memory_space<vmem>>
        %dma_start3A_565 = tpu.memref_squeeze %dma_start3A_564 : memref<1x64x128xf32, #tpu.memory_space<vmem>> -> memref<64x128xf32, #tpu.memory_space<vmem>>
        %dma_start3A_566 = tpu.memref_slice %arg15[%mul3A_499] : memref<512xi32, #tpu.memory_space<vmem>> -> memref<64xi32, #tpu.memory_space<vmem>>
        %dma_start3A_567 = arith.constant 0 : i32
        %dma_start3A_568 = arith.constant 0 : i32
        %dma_start3A_569 = tpu.memref_slice %arg7[%dma_start3A_567, %dma_start3A_568] : memref<1000x128xf32, #tpu.memory_space<hbm>> -> memref<1000x128xf32, #tpu.memory_space<hbm>>
        %dma_start3A_570 = tpu.memref_slice %arg26[%dma_start3A_561] : memref<2x!tpu.dma_semaphore, #tpu.memory_space<semaphore_mem>> -> memref<1x!tpu.dma_semaphore, #tpu.memory_space<semaphore_mem>>
        %dma_start3A_571 = tpu.memref_squeeze %dma_start3A_570 : memref<1x!tpu.dma_semaphore, #tpu.memory_space<semaphore_mem>> -> memref<!tpu.dma_semaphore, #tpu.memory_space<semaphore_mem>>
        tpu.enqueue_indirect_dma source(%dma_start3A_569 : memref<1000x128xf32, #tpu.memory_space<hbm>>) target(%dma_start3A_565 : memref<64x128xf32, #tpu.memory_space<vmem>>) offsets(%dma_start3A_566 : memref<64xi32, #tpu.memory_space<vmem>>) semaphore(%dma_start3A_571 : memref<!tpu.dma_semaphore, #tpu.memory_space<semaphore_mem>>)
        %dma_start3A_572 = arith.constant 0 : i32
        %dma_start3A_573 = arith.constant 0 : i32
        %dma_start3A_574 = arith.constant 0 : i32
        %dma_start3A_575 = arith.constant 0 : i32
        %dma_start3A_576 = tpu.memref_slice %arg24[%dma_start3A_572, %dma_start3A_574, %dma_start3A_575] : memref<2x64x128xf32, #tpu.memory_space<vmem>> -> memref<1x64x128xf32, #tpu.memory_space<vmem>>
        %dma_start3A_577 = tpu.memref_squeeze %dma_start3A_576 : memref<1x64x128xf32, #tpu.memory_space<vmem>> -> memref<64x128xf32, #tpu.memory_space<vmem>>
        %dma_start3A_578 = tpu.memref_slice %arg15[%mul3A_499] : memref<512xi32, #tpu.memory_space<vmem>> -> memref<64xi32, #tpu.memory_space<vmem>>
        %dma_start3A_579 = arith.constant 0 : i32
        %dma_start3A_580 = arith.constant 0 : i32
        %dma_start3A_581 = tpu.memref_slice %arg11[%dma_start3A_579, %dma_start3A_580] : memref<1000x128xf32, #tpu.memory_space<hbm>> -> memref<1000x128xf32, #tpu.memory_space<hbm>>
        %dma_start3A_582 = tpu.memref_slice %arg26[%dma_start3A_573] : memref<2x!tpu.dma_semaphore, #tpu.memory_space<semaphore_mem>> -> memref<1x!tpu.dma_semaphore, #tpu.memory_space<semaphore_mem>>
        %dma_start3A_583 = tpu.memref_squeeze %dma_start3A_582 : memref<1x!tpu.dma_semaphore, #tpu.memory_space<semaphore_mem>> -> memref<!tpu.dma_semaphore, #tpu.memory_space<semaphore_mem>>
        tpu.enqueue_indirect_dma source(%dma_start3A_581 : memref<1000x128xf32, #tpu.memory_space<hbm>>) target(%dma_start3A_577 : memref<64x128xf32, #tpu.memory_space<vmem>>) offsets(%dma_start3A_578 : memref<64xi32, #tpu.memory_space<vmem>>) semaphore(%dma_start3A_583 : memref<!tpu.dma_semaphore, #tpu.memory_space<semaphore_mem>>)
        %dma_start3A_584 = arith.constant 0 : i32
        %dma_start3A_585 = arith.constant 0 : i32
        %dma_start3A_586 = arith.constant 0 : i32
        %dma_start3A_587 = tpu.memref_slice %arg16[%dma_start3A_584, %dma_start3A_586] : memref<2x64xf32, #tpu.memory_space<vmem>> -> memref<1x64xf32, #tpu.memory_space<vmem>>
        %dma_start3A_588 = tpu.memref_squeeze %dma_start3A_587 : memref<1x64xf32, #tpu.memory_space<vmem>> -> memref<64xf32, #tpu.memory_space<vmem>>
        %dma_start3A_589 = tpu.memref_slice %arg13[%mul3A_495] : memref<512xi32, #tpu.memory_space<vmem>> -> memref<64xi32, #tpu.memory_space<vmem>>
        %dma_start3A_590 = arith.constant 0 : i32
        %dma_start3A_591 = tpu.memref_slice %arg8[%dma_start3A_590] : memref<100000xf32, #tpu.memory_space<hbm>> -> memref<100000xf32, #tpu.memory_space<hbm>>
        %dma_start3A_592 = tpu.memref_slice %arg26[%dma_start3A_585] : memref<2x!tpu.dma_semaphore, #tpu.memory_space<semaphore_mem>> -> memref<1x!tpu.dma_semaphore, #tpu.memory_space<semaphore_mem>>
        %dma_start3A_593 = tpu.memref_squeeze %dma_start3A_592 : memref<1x!tpu.dma_semaphore, #tpu.memory_space<semaphore_mem>> -> memref<!tpu.dma_semaphore, #tpu.memory_space<semaphore_mem>>
        tpu.enqueue_indirect_dma source(%dma_start3A_591 : memref<100000xf32, #tpu.memory_space<hbm>>) target(%dma_start3A_588 : memref<64xf32, #tpu.memory_space<vmem>>) offsets(%dma_start3A_589 : memref<64xi32, #tpu.memory_space<vmem>>) semaphore(%dma_start3A_593 : memref<!tpu.dma_semaphore, #tpu.memory_space<semaphore_mem>>)
        %dma_start3A_594 = arith.constant 0 : i32
        %dma_start3A_595 = arith.constant 0 : i32
        %dma_start3A_596 = arith.constant 0 : i32
        %dma_start3A_597 = tpu.memref_slice %arg17[%dma_start3A_594, %dma_start3A_596] : memref<2x64xf32, #tpu.memory_space<vmem>> -> memref<1x64xf32, #tpu.memory_space<vmem>>
        %dma_start3A_598 = tpu.memref_squeeze %dma_start3A_597 : memref<1x64xf32, #tpu.memory_space<vmem>> -> memref<64xf32, #tpu.memory_space<vmem>>
        %dma_start3A_599 = tpu.memref_slice %arg14[%mul3A_497] : memref<512xi32, #tpu.memory_space<vmem>> -> memref<64xi32, #tpu.memory_space<vmem>>
        %dma_start3A_600 = arith.constant 0 : i32
        %dma_start3A_601 = tpu.memref_slice %arg9[%dma_start3A_600] : memref<100000xf32, #tpu.memory_space<hbm>> -> memref<100000xf32, #tpu.memory_space<hbm>>
        %dma_start3A_602 = tpu.memref_slice %arg26[%dma_start3A_595] : memref<2x!tpu.dma_semaphore, #tpu.memory_space<semaphore_mem>> -> memref<1x!tpu.dma_semaphore, #tpu.memory_space<semaphore_mem>>
        %dma_start3A_603 = tpu.memref_squeeze %dma_start3A_602 : memref<1x!tpu.dma_semaphore, #tpu.memory_space<semaphore_mem>> -> memref<!tpu.dma_semaphore, #tpu.memory_space<semaphore_mem>>
        tpu.enqueue_indirect_dma source(%dma_start3A_601 : memref<100000xf32, #tpu.memory_space<hbm>>) target(%dma_start3A_598 : memref<64xf32, #tpu.memory_space<vmem>>) offsets(%dma_start3A_599 : memref<64xi32, #tpu.memory_space<vmem>>) semaphore(%dma_start3A_603 : memref<!tpu.dma_semaphore, #tpu.memory_space<semaphore_mem>>)
      } else {
      }
      %mul3A_365 = arith.constant 64 : i32
      %mul3A_366 = arith.muli %add3A_127, %mul3A_365 : i32
      %mul3A_367 = arith.constant 64 : i32
      %mul3A_368 = arith.muli %add3A_127, %mul3A_367 : i32
      %mul3A_369 = arith.constant 64 : i32
      %mul3A_370 = arith.muli %add3A_127, %mul3A_369 : i32
      %dma_wait3A_371 = arith.constant 1 : i32
      %dma_wait3A_372 = arith.constant 1 : i32
      %dma_wait3A_373 = arith.constant 0 : i32
      %dma_wait3A_374 = arith.constant 0 : i32
      %dma_wait3A_375 = tpu.memref_slice %arg18[%dma_wait3A_371, %dma_wait3A_373, %dma_wait3A_374] : memref<2x64x128xf32, #tpu.memory_space<vmem>> -> memref<1x64x128xf32, #tpu.memory_space<vmem>>
      %dma_wait3A_376 = tpu.memref_squeeze %dma_wait3A_375 : memref<1x64x128xf32, #tpu.memory_space<vmem>> -> memref<64x128xf32, #tpu.memory_space<vmem>>
      %dma_wait3A_377 = tpu.memref_slice %arg13[%mul3A_366] : memref<512xi32, #tpu.memory_space<vmem>> -> memref<64xi32, #tpu.memory_space<vmem>>
      %dma_wait3A_378 = arith.constant 0 : i32
      %dma_wait3A_379 = arith.constant 0 : i32
      %dma_wait3A_380 = tpu.memref_slice %arg5[%dma_wait3A_378, %dma_wait3A_379] : memref<100000x128xf32, #tpu.memory_space<hbm>> -> memref<100000x128xf32, #tpu.memory_space<hbm>>
      %dma_wait3A_381 = tpu.memref_slice %arg26[%dma_wait3A_372] : memref<2x!tpu.dma_semaphore, #tpu.memory_space<semaphore_mem>> -> memref<1x!tpu.dma_semaphore, #tpu.memory_space<semaphore_mem>>
      %dma_wait3A_382 = tpu.memref_squeeze %dma_wait3A_381 : memref<1x!tpu.dma_semaphore, #tpu.memory_space<semaphore_mem>> -> memref<!tpu.dma_semaphore, #tpu.memory_space<semaphore_mem>>
      tpu.wait_indirect_dma semaphore(%dma_wait3A_382 : memref<!tpu.dma_semaphore, #tpu.memory_space<semaphore_mem>>) src(%dma_wait3A_380 : memref<100000x128xf32, #tpu.memory_space<hbm>>) dst(%dma_wait3A_376 : memref<64x128xf32, #tpu.memory_space<vmem>>)
      %dma_wait3A_383 = arith.constant 1 : i32
      %dma_wait3A_384 = arith.constant 1 : i32
      %dma_wait3A_385 = arith.constant 0 : i32
      %dma_wait3A_386 = arith.constant 0 : i32
      %dma_wait3A_387 = tpu.memref_slice %arg19[%dma_wait3A_383, %dma_wait3A_385, %dma_wait3A_386] : memref<2x64x128xf32, #tpu.memory_space<vmem>> -> memref<1x64x128xf32, #tpu.memory_space<vmem>>
      %dma_wait3A_388 = tpu.memref_squeeze %dma_wait3A_387 : memref<1x64x128xf32, #tpu.memory_space<vmem>> -> memref<64x128xf32, #tpu.memory_space<vmem>>
      %dma_wait3A_389 = tpu.memref_slice %arg14[%mul3A_368] : memref<512xi32, #tpu.memory_space<vmem>> -> memref<64xi32, #tpu.memory_space<vmem>>
      %dma_wait3A_390 = arith.constant 0 : i32
      %dma_wait3A_391 = arith.constant 0 : i32
      %dma_wait3A_392 = tpu.memref_slice %arg5[%dma_wait3A_390, %dma_wait3A_391] : memref<100000x128xf32, #tpu.memory_space<hbm>> -> memref<100000x128xf32, #tpu.memory_space<hbm>>
      %dma_wait3A_393 = tpu.memref_slice %arg26[%dma_wait3A_384] : memref<2x!tpu.dma_semaphore, #tpu.memory_space<semaphore_mem>> -> memref<1x!tpu.dma_semaphore, #tpu.memory_space<semaphore_mem>>
      %dma_wait3A_394 = tpu.memref_squeeze %dma_wait3A_393 : memref<1x!tpu.dma_semaphore, #tpu.memory_space<semaphore_mem>> -> memref<!tpu.dma_semaphore, #tpu.memory_space<semaphore_mem>>
      tpu.wait_indirect_dma semaphore(%dma_wait3A_394 : memref<!tpu.dma_semaphore, #tpu.memory_space<semaphore_mem>>) src(%dma_wait3A_392 : memref<100000x128xf32, #tpu.memory_space<hbm>>) dst(%dma_wait3A_388 : memref<64x128xf32, #tpu.memory_space<vmem>>)
      %dma_wait3A_395 = arith.constant 1 : i32
      %dma_wait3A_396 = arith.constant 1 : i32
      %dma_wait3A_397 = arith.constant 0 : i32
      %dma_wait3A_398 = arith.constant 0 : i32
      %dma_wait3A_399 = tpu.memref_slice %arg20[%dma_wait3A_395, %dma_wait3A_397, %dma_wait3A_398] : memref<2x64x128xf32, #tpu.memory_space<vmem>> -> memref<1x64x128xf32, #tpu.memory_space<vmem>>
      %dma_wait3A_400 = tpu.memref_squeeze %dma_wait3A_399 : memref<1x64x128xf32, #tpu.memory_space<vmem>> -> memref<64x128xf32, #tpu.memory_space<vmem>>
      %dma_wait3A_401 = tpu.memref_slice %arg13[%mul3A_366] : memref<512xi32, #tpu.memory_space<vmem>> -> memref<64xi32, #tpu.memory_space<vmem>>
      %dma_wait3A_402 = arith.constant 0 : i32
      %dma_wait3A_403 = arith.constant 0 : i32
      %dma_wait3A_404 = tpu.memref_slice %arg10[%dma_wait3A_402, %dma_wait3A_403] : memref<100000x128xf32, #tpu.memory_space<hbm>> -> memref<100000x128xf32, #tpu.memory_space<hbm>>
      %dma_wait3A_405 = tpu.memref_slice %arg26[%dma_wait3A_396] : memref<2x!tpu.dma_semaphore, #tpu.memory_space<semaphore_mem>> -> memref<1x!tpu.dma_semaphore, #tpu.memory_space<semaphore_mem>>
      %dma_wait3A_406 = tpu.memref_squeeze %dma_wait3A_405 : memref<1x!tpu.dma_semaphore, #tpu.memory_space<semaphore_mem>> -> memref<!tpu.dma_semaphore, #tpu.memory_space<semaphore_mem>>
      tpu.wait_indirect_dma semaphore(%dma_wait3A_406 : memref<!tpu.dma_semaphore, #tpu.memory_space<semaphore_mem>>) src(%dma_wait3A_404 : memref<100000x128xf32, #tpu.memory_space<hbm>>) dst(%dma_wait3A_400 : memref<64x128xf32, #tpu.memory_space<vmem>>)
      %dma_wait3A_407 = arith.constant 1 : i32
      %dma_wait3A_408 = arith.constant 1 : i32
      %dma_wait3A_409 = arith.constant 0 : i32
      %dma_wait3A_410 = arith.constant 0 : i32
      %dma_wait3A_411 = tpu.memref_slice %arg21[%dma_wait3A_407, %dma_wait3A_409, %dma_wait3A_410] : memref<2x64x128xf32, #tpu.memory_space<vmem>> -> memref<1x64x128xf32, #tpu.memory_space<vmem>>
      %dma_wait3A_412 = tpu.memref_squeeze %dma_wait3A_411 : memref<1x64x128xf32, #tpu.memory_space<vmem>> -> memref<64x128xf32, #tpu.memory_space<vmem>>
      %dma_wait3A_413 = tpu.memref_slice %arg14[%mul3A_368] : memref<512xi32, #tpu.memory_space<vmem>> -> memref<64xi32, #tpu.memory_space<vmem>>
      %dma_wait3A_414 = arith.constant 0 : i32
      %dma_wait3A_415 = arith.constant 0 : i32
      %dma_wait3A_416 = tpu.memref_slice %arg10[%dma_wait3A_414, %dma_wait3A_415] : memref<100000x128xf32, #tpu.memory_space<hbm>> -> memref<100000x128xf32, #tpu.memory_space<hbm>>
      %dma_wait3A_417 = tpu.memref_slice %arg26[%dma_wait3A_408] : memref<2x!tpu.dma_semaphore, #tpu.memory_space<semaphore_mem>> -> memref<1x!tpu.dma_semaphore, #tpu.memory_space<semaphore_mem>>
      %dma_wait3A_418 = tpu.memref_squeeze %dma_wait3A_417 : memref<1x!tpu.dma_semaphore, #tpu.memory_space<semaphore_mem>> -> memref<!tpu.dma_semaphore, #tpu.memory_space<semaphore_mem>>
      tpu.wait_indirect_dma semaphore(%dma_wait3A_418 : memref<!tpu.dma_semaphore, #tpu.memory_space<semaphore_mem>>) src(%dma_wait3A_416 : memref<100000x128xf32, #tpu.memory_space<hbm>>) dst(%dma_wait3A_412 : memref<64x128xf32, #tpu.memory_space<vmem>>)
      %dma_wait3A_419 = arith.constant 1 : i32
      %dma_wait3A_420 = arith.constant 1 : i32
      %dma_wait3A_421 = arith.constant 0 : i32
      %dma_wait3A_422 = arith.constant 0 : i32
      %dma_wait3A_423 = tpu.memref_slice %arg22[%dma_wait3A_419, %dma_wait3A_421, %dma_wait3A_422] : memref<2x64x128xf32, #tpu.memory_space<vmem>> -> memref<1x64x128xf32, #tpu.memory_space<vmem>>
      %dma_wait3A_424 = tpu.memref_squeeze %dma_wait3A_423 : memref<1x64x128xf32, #tpu.memory_space<vmem>> -> memref<64x128xf32, #tpu.memory_space<vmem>>
      %dma_wait3A_425 = tpu.memref_slice %arg15[%mul3A_370] : memref<512xi32, #tpu.memory_space<vmem>> -> memref<64xi32, #tpu.memory_space<vmem>>
      %dma_wait3A_426 = arith.constant 0 : i32
      %dma_wait3A_427 = arith.constant 0 : i32
      %dma_wait3A_428 = tpu.memref_slice %arg6[%dma_wait3A_426, %dma_wait3A_427] : memref<1000x128xf32, #tpu.memory_space<hbm>> -> memref<1000x128xf32, #tpu.memory_space<hbm>>
      %dma_wait3A_429 = tpu.memref_slice %arg26[%dma_wait3A_420] : memref<2x!tpu.dma_semaphore, #tpu.memory_space<semaphore_mem>> -> memref<1x!tpu.dma_semaphore, #tpu.memory_space<semaphore_mem>>
      %dma_wait3A_430 = tpu.memref_squeeze %dma_wait3A_429 : memref<1x!tpu.dma_semaphore, #tpu.memory_space<semaphore_mem>> -> memref<!tpu.dma_semaphore, #tpu.memory_space<semaphore_mem>>
      tpu.wait_indirect_dma semaphore(%dma_wait3A_430 : memref<!tpu.dma_semaphore, #tpu.memory_space<semaphore_mem>>) src(%dma_wait3A_428 : memref<1000x128xf32, #tpu.memory_space<hbm>>) dst(%dma_wait3A_424 : memref<64x128xf32, #tpu.memory_space<vmem>>)
      %dma_wait3A_431 = arith.constant 1 : i32
      %dma_wait3A_432 = arith.constant 1 : i32
      %dma_wait3A_433 = arith.constant 0 : i32
      %dma_wait3A_434 = arith.constant 0 : i32
      %dma_wait3A_435 = tpu.memref_slice %arg23[%dma_wait3A_431, %dma_wait3A_433, %dma_wait3A_434] : memref<2x64x128xf32, #tpu.memory_space<vmem>> -> memref<1x64x128xf32, #tpu.memory_space<vmem>>
      %dma_wait3A_436 = tpu.memref_squeeze %dma_wait3A_435 : memref<1x64x128xf32, #tpu.memory_space<vmem>> -> memref<64x128xf32, #tpu.memory_space<vmem>>
      %dma_wait3A_437 = tpu.memref_slice %arg15[%mul3A_370] : memref<512xi32, #tpu.memory_space<vmem>> -> memref<64xi32, #tpu.memory_space<vmem>>
      %dma_wait3A_438 = arith.constant 0 : i32
      %dma_wait3A_439 = arith.constant 0 : i32
      %dma_wait3A_440 = tpu.memref_slice %arg7[%dma_wait3A_438, %dma_wait3A_439] : memref<1000x128xf32, #tpu.memory_space<hbm>> -> memref<1000x128xf32, #tpu.memory_space<hbm>>
      %dma_wait3A_441 = tpu.memref_slice %arg26[%dma_wait3A_432] : memref<2x!tpu.dma_semaphore, #tpu.memory_space<semaphore_mem>> -> memref<1x!tpu.dma_semaphore, #tpu.memory_space<semaphore_mem>>
      %dma_wait3A_442 = tpu.memref_squeeze %dma_wait3A_441 : memref<1x!tpu.dma_semaphore, #tpu.memory_space<semaphore_mem>> -> memref<!tpu.dma_semaphore, #tpu.memory_space<semaphore_mem>>
      tpu.wait_indirect_dma semaphore(%dma_wait3A_442 : memref<!tpu.dma_semaphore, #tpu.memory_space<semaphore_mem>>) src(%dma_wait3A_440 : memref<1000x128xf32, #tpu.memory_space<hbm>>) dst(%dma_wait3A_436 : memref<64x128xf32, #tpu.memory_space<vmem>>)
      %dma_wait3A_443 = arith.constant 1 : i32
      %dma_wait3A_444 = arith.constant 1 : i32
      %dma_wait3A_445 = arith.constant 0 : i32
      %dma_wait3A_446 = arith.constant 0 : i32
      %dma_wait3A_447 = tpu.memref_slice %arg24[%dma_wait3A_443, %dma_wait3A_445, %dma_wait3A_446] : memref<2x64x128xf32, #tpu.memory_space<vmem>> -> memref<1x64x128xf32, #tpu.memory_space<vmem>>
      %dma_wait3A_448 = tpu.memref_squeeze %dma_wait3A_447 : memref<1x64x128xf32, #tpu.memory_space<vmem>> -> memref<64x128xf32, #tpu.memory_space<vmem>>
      %dma_wait3A_449 = tpu.memref_slice %arg15[%mul3A_370] : memref<512xi32, #tpu.memory_space<vmem>> -> memref<64xi32, #tpu.memory_space<vmem>>
      %dma_wait3A_450 = arith.constant 0 : i32
      %dma_wait3A_451 = arith.constant 0 : i32
      %dma_wait3A_452 = tpu.memref_slice %arg11[%dma_wait3A_450, %dma_wait3A_451] : memref<1000x128xf32, #tpu.memory_space<hbm>> -> memref<1000x128xf32, #tpu.memory_space<hbm>>
      %dma_wait3A_453 = tpu.memref_slice %arg26[%dma_wait3A_444] : memref<2x!tpu.dma_semaphore, #tpu.memory_space<semaphore_mem>> -> memref<1x!tpu.dma_semaphore, #tpu.memory_space<semaphore_mem>>
      %dma_wait3A_454 = tpu.memref_squeeze %dma_wait3A_453 : memref<1x!tpu.dma_semaphore, #tpu.memory_space<semaphore_mem>> -> memref<!tpu.dma_semaphore, #tpu.memory_space<semaphore_mem>>
      tpu.wait_indirect_dma semaphore(%dma_wait3A_454 : memref<!tpu.dma_semaphore, #tpu.memory_space<semaphore_mem>>) src(%dma_wait3A_452 : memref<1000x128xf32, #tpu.memory_space<hbm>>) dst(%dma_wait3A_448 : memref<64x128xf32, #tpu.memory_space<vmem>>)
      %dma_wait3A_455 = arith.constant 1 : i32
      %dma_wait3A_456 = arith.constant 1 : i32
      %dma_wait3A_457 = arith.constant 0 : i32
      %dma_wait3A_458 = tpu.memref_slice %arg16[%dma_wait3A_455, %dma_wait3A_457] : memref<2x64xf32, #tpu.memory_space<vmem>> -> memref<1x64xf32, #tpu.memory_space<vmem>>
      %dma_wait3A_459 = tpu.memref_squeeze %dma_wait3A_458 : memref<1x64xf32, #tpu.memory_space<vmem>> -> memref<64xf32, #tpu.memory_space<vmem>>
      %dma_wait3A_460 = tpu.memref_slice %arg13[%mul3A_366] : memref<512xi32, #tpu.memory_space<vmem>> -> memref<64xi32, #tpu.memory_space<vmem>>
      %dma_wait3A_461 = arith.constant 0 : i32
      %dma_wait3A_462 = tpu.memref_slice %arg8[%dma_wait3A_461] : memref<100000xf32, #tpu.memory_space<hbm>> -> memref<100000xf32, #tpu.memory_space<hbm>>
      %dma_wait3A_463 = tpu.memref_slice %arg26[%dma_wait3A_456] : memref<2x!tpu.dma_semaphore, #tpu.memory_space<semaphore_mem>> -> memref<1x!tpu.dma_semaphore, #tpu.memory_space<semaphore_mem>>
      %dma_wait3A_464 = tpu.memref_squeeze %dma_wait3A_463 : memref<1x!tpu.dma_semaphore, #tpu.memory_space<semaphore_mem>> -> memref<!tpu.dma_semaphore, #tpu.memory_space<semaphore_mem>>
      tpu.wait_indirect_dma semaphore(%dma_wait3A_464 : memref<!tpu.dma_semaphore, #tpu.memory_space<semaphore_mem>>) src(%dma_wait3A_462 : memref<100000xf32, #tpu.memory_space<hbm>>) dst(%dma_wait3A_459 : memref<64xf32, #tpu.memory_space<vmem>>)
      %dma_wait3A_465 = arith.constant 1 : i32
      %dma_wait3A_466 = arith.constant 1 : i32
      %dma_wait3A_467 = arith.constant 0 : i32
      %dma_wait3A_468 = tpu.memref_slice %arg17[%dma_wait3A_465, %dma_wait3A_467] : memref<2x64xf32, #tpu.memory_space<vmem>> -> memref<1x64xf32, #tpu.memory_space<vmem>>
      %dma_wait3A_469 = tpu.memref_squeeze %dma_wait3A_468 : memref<1x64xf32, #tpu.memory_space<vmem>> -> memref<64xf32, #tpu.memory_space<vmem>>
      %dma_wait3A_470 = tpu.memref_slice %arg14[%mul3A_368] : memref<512xi32, #tpu.memory_space<vmem>> -> memref<64xi32, #tpu.memory_space<vmem>>
      %dma_wait3A_471 = arith.constant 0 : i32
      %dma_wait3A_472 = tpu.memref_slice %arg9[%dma_wait3A_471] : memref<100000xf32, #tpu.memory_space<hbm>> -> memref<100000xf32, #tpu.memory_space<hbm>>
      %dma_wait3A_473 = tpu.memref_slice %arg26[%dma_wait3A_466] : memref<2x!tpu.dma_semaphore, #tpu.memory_space<semaphore_mem>> -> memref<1x!tpu.dma_semaphore, #tpu.memory_space<semaphore_mem>>
      %dma_wait3A_474 = tpu.memref_squeeze %dma_wait3A_473 : memref<1x!tpu.dma_semaphore, #tpu.memory_space<semaphore_mem>> -> memref<!tpu.dma_semaphore, #tpu.memory_space<semaphore_mem>>
      tpu.wait_indirect_dma semaphore(%dma_wait3A_474 : memref<!tpu.dma_semaphore, #tpu.memory_space<semaphore_mem>>) src(%dma_wait3A_472 : memref<100000xf32, #tpu.memory_space<hbm>>) dst(%dma_wait3A_469 : memref<64xf32, #tpu.memory_space<vmem>>)
      %scan3A_475 = arith.constant 1 : i32
      %scan3A_476 = arith.constant 1 : i32
      %scan3A_477 = arith.constant 1 : i32
      %scan3A_478 = arith.constant 1 : i32
      %scan3A_479 = arith.constant 1 : i32
      %scan3A_480 = arith.constant 1 : i32
      %scan3A_481 = arith.constant 1 : i32
      %scan3A_482 = arith.constant 1 : i32
      %scan3A_483 = arith.constant 1 : i32
      %scan3A_484 = arith.constant 0 : i32
      %scan3A_485 = arith.constant 0 : i32
      %scan3A_486 = arith.constant 4 : i32
      %scan3A_487 = arith.addi %scan3A_485, %scan3A_486 : i32
      %scan3A_488 = arith.constant 1 : i32
      %scan3A_489 = scf.for %scan3A_492 = %scan3A_485 to %scan3A_487 step %scan3A_488 iter_args(%scan3A_493 = %scan3A_484) -> (i32)  : i32 {
        %mul3A_494 = arith.constant 16 : i32
        %mul3A_495 = arith.muli %scan3A_492, %mul3A_494 : i32
        %add3A_496 = vector.broadcast %mul3A_495 : i32 to vector<16xi32>
        %add3A_497 = arith.addi %iota3A, %add3A_496 : vector<16xi32>
        %scan3A_498 = arith.constant 0 : i32
        %scan3A_499 = arith.constant 128 : i32
        %scan3A_500 = arith.addi %scan3A_498, %scan3A_499 : i32
        %scan3A_501 = arith.constant 1 : i32
        %scan3A_502:4 = scf.for %scan3A_586 = %scan3A_498 to %scan3A_500 step %scan3A_501 iter_args(%scan3A_587 = %broadcast_in_dim3A_3, %scan3A_588 = %broadcast_in_dim3A_3, %scan3A_589 = %broadcast_in_dim3A_3, %scan3A_590 = %broadcast_in_dim3A_3) -> (vector<16xf32>, vector<16xf32>, vector<16xf32>, vector<16xf32>)  : i32 {
          %add3A_591 = vector.broadcast %scan3A_586 : i32 to vector<16xi32>
          %add3A_592 = arith.addi %add3A_591, %iota3A : vector<16xi32>
          %and3A = arith.constant 127 : i32
          %and3A_593 = vector.broadcast %and3A : i32 to vector<16xi32>
          %and3A_594 = arith.andi %add3A_592, %and3A_593 : vector<16xi32>
          %gather3A = arith.constant 0 : i32
          %gather3A_595 = arith.constant 0 : i32
          %gather3A_596 = tpu.memref_slice %arg18[%scan3A_475, %gather3A, %gather3A_595] : memref<2x64x128xf32, #tpu.memory_space<vmem>> -> memref<1x64x128xf32, #tpu.memory_space<vmem>>
          %gather3A_597 = tpu.memref_squeeze %gather3A_596 : memref<1x64x128xf32, #tpu.memory_space<vmem>> -> memref<64x128xf32, #tpu.memory_space<vmem>>
          %gather3A_598 = tpu.vector_load_idx %gather3A_597[%add3A_497, %and3A_594] : memref<64x128xf32, #tpu.memory_space<vmem>>[vector<16xi32>, vector<16xi32>], vector<16xf32>,
          %gather3A_599 = arith.constant 0 : i32
          %gather3A_600 = arith.constant 0 : i32
          %gather3A_601 = tpu.memref_slice %arg22[%scan3A_476, %gather3A_599, %gather3A_600] : memref<2x64x128xf32, #tpu.memory_space<vmem>> -> memref<1x64x128xf32, #tpu.memory_space<vmem>>
          %gather3A_602 = tpu.memref_squeeze %gather3A_601 : memref<1x64x128xf32, #tpu.memory_space<vmem>> -> memref<64x128xf32, #tpu.memory_space<vmem>>
          %gather3A_603 = tpu.vector_load_idx %gather3A_602[%add3A_497, %and3A_594] : memref<64x128xf32, #tpu.memory_space<vmem>>[vector<16xi32>, vector<16xi32>], vector<16xf32>,
          %mul3A_604 = arith.mulf %gather3A_598, %gather3A_603 : vector<16xf32>
          %gather3A_605 = arith.constant 0 : i32
          %gather3A_606 = arith.constant 0 : i32
          %gather3A_607 = tpu.memref_slice %arg19[%scan3A_477, %gather3A_605, %gather3A_606] : memref<2x64x128xf32, #tpu.memory_space<vmem>> -> memref<1x64x128xf32, #tpu.memory_space<vmem>>
          %gather3A_608 = tpu.memref_squeeze %gather3A_607 : memref<1x64x128xf32, #tpu.memory_space<vmem>> -> memref<64x128xf32, #tpu.memory_space<vmem>>
          %gather3A_609 = tpu.vector_load_idx %gather3A_608[%add3A_497, %and3A_594] : memref<64x128xf32, #tpu.memory_space<vmem>>[vector<16xi32>, vector<16xi32>], vector<16xf32>,
          %gather3A_610 = arith.constant 0 : i32
          %gather3A_611 = arith.constant 0 : i32
          %gather3A_612 = tpu.memref_slice %arg23[%scan3A_478, %gather3A_610, %gather3A_611] : memref<2x64x128xf32, #tpu.memory_space<vmem>> -> memref<1x64x128xf32, #tpu.memory_space<vmem>>
          %gather3A_613 = tpu.memref_squeeze %gather3A_612 : memref<1x64x128xf32, #tpu.memory_space<vmem>> -> memref<64x128xf32, #tpu.memory_space<vmem>>
          %gather3A_614 = tpu.vector_load_idx %gather3A_613[%add3A_497, %and3A_594] : memref<64x128xf32, #tpu.memory_space<vmem>>[vector<16xi32>, vector<16xi32>], vector<16xf32>,
          %add3A_615 = arith.addf %gather3A_609, %gather3A_614 : vector<16xf32>
          %mul3A_616 = arith.mulf %mul3A_604, %mul3A_604 : vector<16xf32>
          %add3A_617 = arith.addf %scan3A_587, %mul3A_616 : vector<16xf32>
          %mul3A_618 = arith.mulf %add3A_615, %add3A_615 : vector<16xf32>
          %add3A_619 = arith.addf %scan3A_588, %mul3A_618 : vector<16xf32>
          %mul3A_620 = arith.mulf %mul3A_604, %add3A_615 : vector<16xf32>
          %add3A_621 = arith.addf %scan3A_589, %mul3A_620 : vector<16xf32>
          %gather3A_622 = arith.constant 0 : i32
          %gather3A_623 = arith.constant 0 : i32
          %gather3A_624 = tpu.memref_slice %arg20[%scan3A_479, %gather3A_622, %gather3A_623] : memref<2x64x128xf32, #tpu.memory_space<vmem>> -> memref<1x64x128xf32, #tpu.memory_space<vmem>>
          %gather3A_625 = tpu.memref_squeeze %gather3A_624 : memref<1x64x128xf32, #tpu.memory_space<vmem>> -> memref<64x128xf32, #tpu.memory_space<vmem>>
          %gather3A_626 = tpu.vector_load_idx %gather3A_625[%add3A_497, %and3A_594] : memref<64x128xf32, #tpu.memory_space<vmem>>[vector<16xi32>, vector<16xi32>], vector<16xf32>,
          %gather3A_627 = arith.constant 0 : i32
          %gather3A_628 = arith.constant 0 : i32
          %gather3A_629 = tpu.memref_slice %arg21[%scan3A_480, %gather3A_627, %gather3A_628] : memref<2x64x128xf32, #tpu.memory_space<vmem>> -> memref<1x64x128xf32, #tpu.memory_space<vmem>>
          %gather3A_630 = tpu.memref_squeeze %gather3A_629 : memref<1x64x128xf32, #tpu.memory_space<vmem>> -> memref<64x128xf32, #tpu.memory_space<vmem>>
          %gather3A_631 = tpu.vector_load_idx %gather3A_630[%add3A_497, %and3A_594] : memref<64x128xf32, #tpu.memory_space<vmem>>[vector<16xi32>, vector<16xi32>], vector<16xf32>,
          %gather3A_632 = arith.constant 0 : i32
          %gather3A_633 = arith.constant 0 : i32
          %gather3A_634 = tpu.memref_slice %arg24[%scan3A_481, %gather3A_632, %gather3A_633] : memref<2x64x128xf32, #tpu.memory_space<vmem>> -> memref<1x64x128xf32, #tpu.memory_space<vmem>>
          %gather3A_635 = tpu.memref_squeeze %gather3A_634 : memref<1x64x128xf32, #tpu.memory_space<vmem>> -> memref<64x128xf32, #tpu.memory_space<vmem>>
          %gather3A_636 = tpu.vector_load_idx %gather3A_635[%add3A_497, %and3A_594] : memref<64x128xf32, #tpu.memory_space<vmem>>[vector<16xi32>, vector<16xi32>], vector<16xf32>,
          %mul3A_637 = arith.mulf %gather3A_626, %gather3A_603 : vector<16xf32>
          %sub3A_638 = arith.subf %mul3A_637, %gather3A_631 : vector<16xf32>
          %sub3A_639 = arith.subf %sub3A_638, %gather3A_636 : vector<16xf32>
          %mul3A_640 = arith.mulf %sub3A_639, %sub3A_639 : vector<16xf32>
          %add3A_641 = arith.addf %scan3A_590, %mul3A_640 : vector<16xf32>
          scf.yield %add3A_617, %add3A_619, %add3A_621, %add3A_641 : vector<16xf32>, vector<16xf32>, vector<16xf32>, vector<16xf32>
        }
        %scan3A_503 = arith.constant 128 : i32
        %add3A_504 = arith.constant 1.000000e+00 : f32
        %add3A_505 = vector.broadcast %add3A_504 : f32 to vector<16xf32>
        %add3A_506 = arith.addf %scan3A_502#0, %add3A_505 : vector<16xf32>
        %add3A_507 = arith.constant 1.000000e+00 : f32
        %add3A_508 = vector.broadcast %add3A_507 : f32 to vector<16xf32>
        %add3A_509 = arith.addf %scan3A_502#1, %add3A_508 : vector<16xf32>
        %mul3A_510 = arith.mulf %add3A_506, %add3A_509 : vector<16xf32>
        %bitcast3A = vector.bitcast %mul3A_510 : vector<16xf32> to vector<16xi32>
        %shift_right_logical3A = arith.constant 1 : i32
        %shift_right_logical3A_511 = vector.broadcast %shift_right_logical3A : i32 to vector<16xi32>
        %shift_right_logical3A_512 = arith.shrui %bitcast3A, %shift_right_logical3A_511 : vector<16xi32>
        %sub3A = arith.constant 1597463007 : i32
        %sub3A_513 = vector.broadcast %sub3A : i32 to vector<16xi32>
        %sub3A_514 = arith.subi %sub3A_513, %shift_right_logical3A_512 : vector<16xi32>
        %bitcast3A_515 = vector.bitcast %sub3A_514 : vector<16xi32> to vector<16xf32>
        %mul3A_516 = arith.constant 5.000000e-01 : f32
        %mul3A_517 = vector.broadcast %mul3A_516 : f32 to vector<16xf32>
        %mul3A_518 = arith.mulf %mul3A_517, %mul3A_510 : vector<16xf32>
        %mul3A_519 = arith.mulf %mul3A_518, %bitcast3A_515 : vector<16xf32>
        %mul3A_520 = arith.mulf %mul3A_519, %bitcast3A_515 : vector<16xf32>
        %sub3A_521 = arith.constant 1.500000e+00 : f32
        %sub3A_522 = vector.broadcast %sub3A_521 : f32 to vector<16xf32>
        %sub3A_523 = arith.subf %sub3A_522, %mul3A_520 : vector<16xf32>
        %mul3A_524 = arith.mulf %bitcast3A_515, %sub3A_523 : vector<16xf32>
        %mul3A_525 = arith.constant 5.000000e-01 : f32
        %mul3A_526 = vector.broadcast %mul3A_525 : f32 to vector<16xf32>
        %mul3A_527 = arith.mulf %mul3A_526, %mul3A_510 : vector<16xf32>
        %mul3A_528 = arith.mulf %mul3A_527, %mul3A_524 : vector<16xf32>
        %mul3A_529 = arith.mulf %mul3A_528, %mul3A_524 : vector<16xf32>
        %sub3A_530 = arith.constant 1.500000e+00 : f32
        %sub3A_531 = vector.broadcast %sub3A_530 : f32 to vector<16xf32>
        %sub3A_532 = arith.subf %sub3A_531, %mul3A_529 : vector<16xf32>
        %mul3A_533 = arith.mulf %mul3A_524, %sub3A_532 : vector<16xf32>
        %mul3A_534 = arith.constant 5.000000e-01 : f32
        %mul3A_535 = vector.broadcast %mul3A_534 : f32 to vector<16xf32>
        %mul3A_536 = arith.mulf %mul3A_535, %mul3A_510 : vector<16xf32>
        %mul3A_537 = arith.mulf %mul3A_536, %mul3A_533 : vector<16xf32>
        %mul3A_538 = arith.mulf %mul3A_537, %mul3A_533 : vector<16xf32>
        %sub3A_539 = arith.constant 1.500000e+00 : f32
        %sub3A_540 = vector.broadcast %sub3A_539 : f32 to vector<16xf32>
        %sub3A_541 = arith.subf %sub3A_540, %mul3A_538 : vector<16xf32>
        %mul3A_542 = arith.mulf %mul3A_533, %sub3A_541 : vector<16xf32>
        %mul3A_543 = arith.constant 5.000000e-01 : f32
        %mul3A_544 = vector.broadcast %mul3A_543 : f32 to vector<16xf32>
        %mul3A_545 = arith.mulf %mul3A_544, %mul3A_510 : vector<16xf32>
        %mul3A_546 = arith.mulf %mul3A_545, %mul3A_542 : vector<16xf32>
        %mul3A_547 = arith.mulf %mul3A_546, %mul3A_542 : vector<16xf32>
        %sub3A_548 = arith.constant 1.500000e+00 : f32
        %sub3A_549 = vector.broadcast %sub3A_548 : f32 to vector<16xf32>
        %sub3A_550 = arith.subf %sub3A_549, %mul3A_547 : vector<16xf32>
        %mul3A_551 = arith.mulf %mul3A_542, %sub3A_550 : vector<16xf32>
        %mul3A_552 = arith.mulf %mul3A_510, %mul3A_551 : vector<16xf32>
        %mul3A_553 = arith.constant 2.000000e+00 : f32
        %mul3A_554 = vector.broadcast %mul3A_553 : f32 to vector<16xf32>
        %mul3A_555 = arith.mulf %mul3A_554, %scan3A_502#2 : vector<16xf32>
        %add3A_556 = arith.constant 2.000000e+00 : f32
        %add3A_557 = vector.broadcast %add3A_556 : f32 to vector<16xf32>
        %add3A_558 = arith.addf %add3A_557, %mul3A_555 : vector<16xf32>
        %mul3A_559 = arith.constant 2.000000e+00 : f32
        %mul3A_560 = vector.broadcast %mul3A_559 : f32 to vector<16xf32>
        %mul3A_561 = arith.mulf %mul3A_560, %mul3A_552 : vector<16xf32>
        %sub3A_562 = arith.subf %add3A_558, %mul3A_561 : vector<16xf32>
        %sub3A_563 = arith.subf %sub3A_562, %scan3A_502#3 : vector<16xf32>
        %mul3A_564 = arith.constant 16 : i32
        %mul3A_565 = arith.muli %scan3A_492, %mul3A_564 : i32
        %get3A = arith.constant 0 : i32
        %get3A_566 = tpu.memref_slice %arg16[%scan3A_482, %get3A] : memref<2x64xf32, #tpu.memory_space<vmem>> -> memref<1x64xf32, #tpu.memory_space<vmem>>
        %get3A_567 = tpu.memref_squeeze %get3A_566 : memref<1x64xf32, #tpu.memory_space<vmem>> -> memref<64xf32, #tpu.memory_space<vmem>>
        %get3A_568 = arith.index_cast %mul3A_565 : i32 to index
        %get3A_569 = tpu.vector_load %get3A_567[%get3A_568] {strides = array<i32>} : memref<64xf32, #tpu.memory_space<vmem>>, vector<16xf32>,
        %add3A_570 = arith.addf %sub3A_563, %get3A_569 : vector<16xf32>
        %mul3A_571 = arith.constant 16 : i32
        %mul3A_572 = arith.muli %scan3A_492, %mul3A_571 : i32
        %get3A_573 = arith.constant 0 : i32
        %get3A_574 = tpu.memref_slice %arg17[%scan3A_483, %get3A_573] : memref<2x64xf32, #tpu.memory_space<vmem>> -> memref<1x64xf32, #tpu.memory_space<vmem>>
        %get3A_575 = tpu.memref_squeeze %get3A_574 : memref<1x64xf32, #tpu.memory_space<vmem>> -> memref<64xf32, #tpu.memory_space<vmem>>
        %get3A_576 = arith.index_cast %mul3A_572 : i32 to index
        %get3A_577 = tpu.vector_load %get3A_575[%get3A_576] {strides = array<i32>} : memref<64xf32, #tpu.memory_space<vmem>>, vector<16xf32>,
        %add3A_578 = arith.addf %add3A_570, %get3A_577 : vector<16xf32>
        %mul3A_579 = arith.constant 64 : i32
        %mul3A_580 = arith.muli %add3A_127, %mul3A_579 : i32
        %mul3A_581 = arith.constant 16 : i32
        %mul3A_582 = arith.muli %scan3A_492, %mul3A_581 : i32
        %add3A_583 = arith.addi %mul3A_580, %mul3A_582 : i32
        %swap3A = arith.index_cast %add3A_583 : i32 to index
        %swap3A_584 = tpu.vector_load %arg25[%swap3A] {strides = array<i32>} : memref<512xf32, #tpu.memory_space<vmem>>, vector<16xf32>,
        tpu.vector_store %arg25[%swap3A], %add3A_578 {strides = array<i32>} : memref<512xf32, #tpu.memory_space<vmem>>, vector<16xf32>,
        %scan3A_585 = arith.constant 0 : i32
        scf.yield %scan3A_585 : i32
      }
      %scan3A_490 = arith.constant 4 : i32
      %scan3A_491 = arith.constant 0 : i32
      scf.yield %scan3A_491 : i32
    }
    %scan3A_121 = arith.constant 4 : i32
    "tpu.region"() ({
      %run_scoped3A = tpu.sem_alloc : memref<!tpu.dma_semaphore, #tpu.memory_space<semaphore_mem>>
      %dma_start3A_122 = tpu.memref_slice %arg12[%mul3A_2] : memref<16384xf32, #tpu.memory_space<hbm>> -> memref<512xf32, #tpu.memory_space<hbm>>
      %dma_start3A_123 = tpu.memref_slice %arg12[%mul3A_2] : memref<16384xf32, #tpu.memory_space<hbm>> -> memref<512xf32, #tpu.memory_space<hbm>>
      tpu.enqueue_dma source(%arg25 : memref<512xf32, #tpu.memory_space<vmem>>) target(%dma_start3A_123 : memref<512xf32, #tpu.memory_space<hbm>>) target_semaphore(%run_scoped3A : memref<!tpu.dma_semaphore, #tpu.memory_space<semaphore_mem>>)
      %dma_wait3A = tpu.memref_slice %arg12[%mul3A_2] : memref<16384xf32, #tpu.memory_space<hbm>> -> memref<512xf32, #tpu.memory_space<hbm>>
      %dma_wait3A_124 = tpu.memref_slice %arg12[%mul3A_2] : memref<16384xf32, #tpu.memory_space<hbm>> -> memref<512xf32, #tpu.memory_space<hbm>>
      tpu.wait_dma2 semaphore(%run_scoped3A : memref<!tpu.dma_semaphore, #tpu.memory_space<semaphore_mem>>) src(%arg25 : memref<512xf32, #tpu.memory_space<vmem>>) dst(%dma_wait3A_124 : memref<512xf32, #tpu.memory_space<hbm>>)
      tpu.yield
    }) : () -> ()
    return
  }
}

</mosaic_0001>

<sc_bundles>
// kernel: _mu_rel_sc.3.cloned.1.call-start
scs
__scs_entry_jumppad:
0x0: {  	(pc) =	sbr.rel $0x88, $3  }
0x1: {  	(tag) =	ssettag $0x0;
	lr =	simm.s32 $0x1  }
0x2: {  	[smem:$0x3F97] =	sst lr;
	_ =	strace $0xD0000000  }
0x3: {  	_ = 	snop  }
0x4: {  	_ = 	snop  }
0x5: {  	_ = 	snop  }
0x6: {  	_ = 	snop  }
0x7: {  	_ = 	snop  }
__scs_overlays_trampoline_lowered:
0x8: {  	[smem:$0x3FA6] =	sst s0  }
0x9: {  	[smem:$0x3FA7] =	sst s1  }
0xa: {  	[smem:$0x3FA8] =	sst s2  }
0xb: {  	[smem:$0x3FA9] =	sst s3  }
0xc: {  	[smem:$0x3FAA] =	sst s4  }
0xd: {  	[smem:$0x3FAB] =	sst s5  }
0xe: {  	[smem:$0x3FAC] =	sst s6  }
0xf: {  	[smem:$0x3FAD] =	sst s7  }
0x10: {  	[smem:$0x3FAE] =	sst s8  }
0x11: {  	[smem:$0x3FAF] =	sst s9;
	s0 =	simm.s32 @!p0 $0x0  }
0x12: {  	s1 =	sld [smem:$0x3F95];
	s0 =	simm.s32 @p0 $0x1  }
0x13: {  	[smem:$0x3FB0] =	sst s0;
	s0 =	simm.s32 @!p1 $0x0  }
0x14: {  	s2 =	sld [smem:$0x3F94];
	s0 =	simm.s32 @p1 $0x1  }
0x15: {  	[smem:$0x3FB1] =	sst s0;
	s0 =	simm.s32 @!p2 $0x0  }
0x16: {  	s3 =	sld [smem:$0x3FDB];
	s0 =	simm.s32 @p2 $0x1  }
0x17: {  	s4 =	simm.s32 $0x1BF5;
	[smem:$0x3FB3] =	sst s0  }
0x18: {  	s0 =	sld [smem:$0x3F96];
	_ =	swait.ge [sflag:s4], $0x0  }
0x19: {  	s7 =	sld [smem:$0x3F97]  }
0x1a: {  	s8 =	sadd.s32 $0xFFFFE003, lr  }
0x1b: {  	s9 =	sadd.s32 $0xFFFFFEF7, lr;
	s5 =	simm.s32 $0xFFFFFFFF;
	p2 =	slt.u32 s8, $0xFFFFF086  }
0x1c: {  	p1 =	slt.u32 s9, $0xF7A;
	s5 =	simm.s32 @!p2 $0x0  }
0x1d: {  	s5 =	simm.s32 @p1 $0x1;
	p0 =	seq.s32 s7, s2  }
0x1e: {  	s7 =	smul.u32 @!p0 $0xF7A, s2;
	p2 =	seq.s32 @!p0 s5, $0x0  }
0x1f: {  	s9 =	smul.u32 $0xF7A, s1;
	s8 =	simm.s32 @!p0 $0x1BF5;
	p2 =	por !p2, p0  }
0x20: {  	[sflag:s8] =	ssyncset.s32 @!p0 $0xFFFFF086;
	s6 =	sadd.s32 @!p0 s3, s7;
	s7 =	simm.s32 @!p0 $0x108  }
0x21: {  	s3 =	sadd.s32 s3, s9;
	s6 =	sadd.s32 @!p0 $0x88, s6;
	s7 =	simm.s32 @p2 $0x1082  }
0x22: {  	[simem:s7], [sflag:s8] =	dma.local @!p0 [hbm:s6], $0xF7A  }
0x23: {  	s9 =	sor.u32 $0xD0000000, s2;
	s6 =	simm.s32 $0x108;
	_ =	swait.ge @!p0 [sflag:s8], $0x0  }
0x24: {  	s3 =	sadd.s32 $0x88, s3;
	s6 =	simm.s32 @!p1 $0x1082;
	[sflag:s4] =	ssyncset.s32 $0xFFFFF086  }
0x25: {  	[simem:s6], [sflag:s4] =	dma.local [hbm:s3], $0xF7A  }
0x26: {  	[smem:$0x3F97] =	sst s1;
	(tag) =	ssettag s2;
	_ =	strace s9  }
0x27: {  	s1 =	sld [smem:$0x3FA7]  }
0x28: {  	s2 =	sld [smem:$0x3FA8]  }
0x29: {  	s4 =	sld [smem:$0x3FAA]  }
0x2a: {  	p0 =	seq.s32 s5, $0x0;
	s5 =	sld [smem:$0x3FAB]  }
0x2b: {  	s6 =	sld [smem:$0x3FAC]  }
0x2c: {  	s7 =	sld [smem:$0x3FAD]  }
0x2d: {  	s3 =	simm.s32 $0x108;
	s8 =	sld [smem:$0x3FAE]  }
0x2e: {  	s3 =	simm.s32 @!p0 $0x1082;
	s9 =	sld [smem:$0x3FAF]  }
0x2f: {  	lr =	sadd.s32 s0, s3;
	s0 =	sld [smem:$0x3FA6]  }
0x30: {  	s3 =	sld [smem:$0x3FA9]  }
0x31: {  	[smem:$0x3FB2] =	sst s10  }
0x32: {  	s10 =	sld [smem:$0x3FB0];
	_ =	sdelay $0x3  }
0x33: {  	p0 =	seq.s32 s10, $0x1;
	s10 =	sld [smem:$0x3FB2];
	_ =	sdelay $0x3  }
0x34: {  	[smem:$0x3FB2] =	sst s10  }
0x35: {  	s10 =	sld [smem:$0x3FB1];
	_ =	sdelay $0x3  }
0x36: {  	p1 =	seq.s32 s10, $0x1;
	s10 =	sld [smem:$0x3FB2];
	_ =	sdelay $0x3  }
0x37: {  	[smem:$0x3FB2] =	sst s10  }
0x38: {  	s10 =	sld [smem:$0x3FB3]  }
0x39: {  	_ = 	snop;
	(pc) =	sbr.ind lr, $3  }
0x3a: {  	_ = 	snop  }
0x3b: {  	_ = 	snop  }
0x3c: {  	p2 =	seq.s32 s10, $0x1;
	s10 =	sld [smem:$0x3FB2]  }
0x3d: {  	_ =	shalt  }
0x3e: {  	_ =	shalt  }
0x3f: {  	_ =	shalt  }
0x40: {  	_ =	shalt  }
0x41: {  	_ =	shalt  }
0x42: {  	_ =	shalt  }
0x43: {  	_ =	shalt  }
0x44: {  	_ =	shalt  }
0x45: {  	_ =	shalt  }
0x46: {  	_ =	shalt  }
0x47: {  	_ =	shalt  }
0x48: {  	_ =	shalt  }
0x49: {  	_ =	shalt  }
0x4a: {  	_ =	shalt  }
0x4b: {  	_ =	shalt  }
0x4c: {  	_ =	shalt  }
0x4d: {  	_ =	shalt  }
0x4e: {  	_ =	shalt  }
0x4f: {  	_ =	shalt  }
0x50: {  	_ =	shalt  }
0x51: {  	_ =	shalt  }
0x52: {  	_ =	shalt  }
0x53: {  	_ =	shalt  }
0x54: {  	_ =	shalt  }
0x55: {  	_ =	shalt  }
0x56: {  	_ =	shalt  }
0x57: {  	_ =	shalt  }
0x58: {  	_ =	shalt  }
0x59: {  	_ =	shalt  }
0x5a: {  	_ =	shalt  }
0x5b: {  	_ =	shalt  }
0x5c: {  	_ =	shalt  }
0x5d: {  	_ =	shalt  }
0x5e: {  	_ =	shalt  }
0x5f: {  	_ =	shalt  }
0x60: {  	_ =	shalt  }
0x61: {  	_ =	shalt  }
0x62: {  	_ =	shalt  }
0x63: {  	_ =	shalt  }
0x64: {  	_ =	shalt  }
0x65: {  	_ =	shalt  }
0x66: {  	_ =	shalt  }
0x67: {  	_ =	shalt  }
0x68: {  	_ =	shalt  }
0x69: {  	_ =	shalt  }
0x6a: {  	_ =	shalt  }
0x6b: {  	_ =	shalt  }
0x6c: {  	_ =	shalt  }
0x6d: {  	_ =	shalt  }
0x6e: {  	_ =	shalt  }
0x6f: {  	_ =	shalt  }
0x70: {  	_ =	shalt  }
0x71: {  	_ =	shalt  }
0x72: {  	_ =	shalt  }
0x73: {  	_ =	shalt  }
0x74: {  	_ =	shalt  }
0x75: {  	_ =	shalt  }
0x76: {  	_ =	shalt  }
0x77: {  	_ =	shalt  }
0x78: {  	_ =	shalt  }
0x79: {  	_ =	shalt  }
0x7a: {  	_ =	shalt  }
0x7b: {  	_ =	shalt  }
0x7c: {  	_ =	shalt  }
0x7d: {  	_ =	shalt  }
0x7e: {  	_ =	shalt  }
0x7f: {  	_ =	shalt  }
0x80: {  	_ =	shalt  }
0x81: {  	_ =	shalt  }
0x82: {  	_ =	shalt  }
0x83: {  	_ =	shalt  }
0x84: {  	_ =	shalt  }
0x85: {  	_ =	shalt  }
0x86: {  	_ =	shalt  }
0x87: {  	_ =	shalt  }
.Lfunc_end0:
.L_simem_size_0:
called_computation_lowered:
.L_overlay_start_0:
0x88: {  	s2 =	sld [smem:$0x3FD9]  }
0x89: {  	s3 =	sld [smem:$0x3FFE];
	_ =	sdelay $0x1  }
0x8a: {  	s1 =	srdreg.scid  }
0x8b: {  	s0 =	sand.u32 $0x1, s1  }
0x8c: {  	s18 =	sshll.u32 s0, $0xA;
	s2 =	sadd.s32 s3, s2  }
0x8d: {  	s2 =	sadd.s32 s2, s18  }
0x8e: {  	[smem:$0x3FBE] =	sst s2  }
0x8f: {  	_ = 	snop  }
0x90: {  	s2 =	sld [smem:$0x3FC9]  }
0x91: {  	s19 =	sld [smem:$0x3FC8]  }
0x92: {  	s4 =	sld [smem:$0x3FC7]  }
0x93: {  	s5 =	sld [smem:$0x3FC6]  }
0x94: {  	s6 =	sld [smem:$0x3FC5]  }
0x95: {  	s7 =	sld [smem:$0x3FC4]  }
0x96: {  	s8 =	sld [smem:$0x3FC3]  }
0x97: {  	s9 =	sld [smem:$0x3FC2]  }
0x98: {  	s10 =	sld [smem:$0x3FC1]  }
0x99: {  	s11 =	sld [smem:$0x3FC0]  }
0x9a: {  	s12 =	sld [smem:$0x3FD0];
	(tm) =	ssettm $0x1  }
0x9b: {  	s13 =	sld [smem:$0x3FFB];
	_ =	sdelay $0x3  }
0x9c: {  	_ =	strace s13  }
0x9d: {  	s13 =	sld [smem:$0x3FFC];
	_ =	sdelay $0x3  }
0x9e: {  	_ =	strace s13  }
0x9f: {  	s13 =	sld [smem:$0x3FFD];
	_ =	sdelay $0x3  }
0xa0: {  	_ =	strace s13  }
0xa1: {  	_ =	strace $0x8FFFFFFF  }
0xa2: {  	s20 =	sld [smem:$0x3FDB];
	_ =	sdelay $0x1  }
0xa3: {  	s14 =	simm.s32 $_scs_section_size  }
0xa4: {  	s15 =	simm.s32 $_size__tile_overlayer_lowered;
	s16 =	simm.s32 $_tile_overlayer_lowered  }
0xa5: {  	s23 =	simm.s32 $0x1BFF;
	s22 =	sshll.u32 s16, $0x1;
	s13 =	sadd.s32 s14, s20  }
0xa6: {  	s17 =	simm.s32 $0x0;
	s21 =	sshll.u32 s15, $0x1;
	s15 =	sadd.s32 s22, s13  }
0xa7: {  	[timem:s17], [sflag:s23] =	dma.local [hbm:s15], s21  }
0xa8: {  	_ =	swait.ge [sflag:s23], s21  }
0xa9: {  	s14 =	ssub.s32 $0x0, s21;
	[sflag:s23] =	ssyncset.done $0x0  }
0xaa: {  	[sflag:s23] =	ssyncadd.s32 s14;
	_ =	sdelay $0x1  }
0xab: {  	s24 =	simm.s32 $0x1B8B  }
0xac: {  	_ =	swait.ge [sflag:s24], $0x1  }
0xad: {  	[sflag:s24] =	ssyncset.done $0x0  }
0xae: {  	s25 =	simm.s32 $0x1B8E;
	[sflag:s24] =	ssyncadd.s32 $0xFFFFFFFF  }
0xaf: {  	s26 =	simm.s32 $execute0_lowered;
	[smem:$0x3FD2] =	sst s25  }
0xb0: {  	s14 =	sshll.u32 s26, $0x1;
	_ =	strace $0x80000046;
	[dreg:$0x1] =	wrdreg $0xFFFFFFFF  }
0xb1: {  	s28 =	simm.s32 $_size_execute0_lowered;
	s13 =	sadd.s32 s13, s14;
	[dreg:$0x0] =	wrdreg $0x0  }
0xb2: {  	s14 =	sshll.u32 s28, $0x1;
	[dreg:$0x2] =	wrdreg s13  }
0xb3: {  	[dreg:$0x3] =	wrdreg s14  }
0xb4: {  	[dreg:$0x4] =	wrdreg $0xC0  }
0xb5: {  	_ =	task [dreg:s17], $0x5FFFF  }
0xb6: {  	[dreg:$0x1] =	wrdreg $0xFFFFFFFF  }
0xb7: {  	[dreg:$0x0] =	wrdreg $0x60  }
0xb8: {  	[dreg:$0x2] =	wrdreg s2  }
0xb9: {  	[dreg:$0x3] =	wrdreg s4  }
0xba: {  	[dreg:$0x4] =	wrdreg s19  }
0xbb: {  	[dreg:$0x5] =	wrdreg s5  }
0xbc: {  	[dreg:$0x6] =	wrdreg s6  }
0xbd: {  	[dreg:$0x7] =	wrdreg s7  }
0xbe: {  	[dreg:$0x8] =	wrdreg s8  }
0xbf: {  	[dreg:$0x9] =	wrdreg s9  }
0xc0: {  	[dreg:$0xa] =	wrdreg s10  }
0xc1: {  	[dreg:$0xb] =	wrdreg s11  }
0xc2: {  	[dreg:$0xc] =	wrdreg s12  }
0xc3: {  	[dreg:$0xd] =	wrdreg $0x9  }
0xc4: {  	_ =	task.clear_ibuf [dreg:s17], $0xEFFFF;
	_ =	strace $0x90000046  }
0xc5: {  	s29 =	simm.s32 $0x9;
	_ =	strace $0x80000048  }
0xc6: {  	_ =	swait.ge [sflag:s29], $0x1  }
0xc7: {  	[sflag:s29] =	ssyncadd.s32 $0xFFFFFFFF  }
0xc8: {  	_ =	strace $0x90000048  }
0xc9: {  	_ =	sfence  }
0xca: {  	s30 =	sld [smem:$0x0];
	_ =	sdelay $0x2  }
0xcb: {  	s31 =	sshll.u32 s1, $0xD;
	s1 =	sshrl.u32 s1, $0x2  }
0xcc: {  	s3 =	sand.u32 $0x4000, s31;
	s1 =	sadd.s32 s1, s30  }
0xcd: {  	s0 =	sor.u32 s3, s0;
	s1 =	sshll.u32 s1, $0x11  }
0xce: {  	s0 =	sor.u32 s1, s0  }
0xcf: {  	s0 =	sadd.s32 $0x8F2B, s0  }
0xd0: {  	[sflag:s0] =	ssyncadd.remote.s32 $0x1  }
0xd1: {  	_ =	sfence.sel $0xFFFF  }
0xd2: {  	[dreg:$0x0] =	wrdreg $0xFFFFFFFF;
	(pc) =	sbr.abs _section_cstart, $3  }
0xd3: {  	[dreg:$0x1] =	wrdreg $0xFFFFFFFF  }
0xd4: {  	_ =	task.clear_ibuf [dreg:s17], $0x2FFFF;
	_ =	strace $0x9FFFFFFF  }
0xd5: {  	(tm) =	ssettm $0x7FFFFFFF  }
tec
execute0_lowered:
.L_overlay_start_1:
0x0: {  	(tag) =	ssettag $0x1  }
0x1: {  	s2 =	rddreg [dreg:$0x0]  }
0x2: {  	s8 =	rddreg [dreg:$0x1]  }
0x3: {  	s9 =	rddreg [dreg:$0x2]  }
0x4: {  	s0 =	rddreg [dreg:$0x3]  }
0x5: {  	s1 =	rddreg [dreg:$0x4]  }
0x6: {  	s3 =	rddreg [dreg:$0x5]  }
0x7: {  	s4 =	rddreg [dreg:$0x6]  }
0x8: {  	s5 =	rddreg [dreg:$0x7]  }
0x9: {  	s6 =	rddreg [dreg:$0x8]  }
0xa: {  	s7 =	rddreg [dreg:$0x9]  }
0xb: {  	s10 =	rddreg [dreg:$0xa];
	s11 =	srdreg.scid;
	s15 =	simm.s32 $0x0  }
0xc: {  	s13 =	stileid.u32;
	s18 =	simm.s32 $0x40;
	s19 =	simm.s32 $0x700  }
0xd: {  	s20 =	simm.s32 $0x4700;
	s21 =	simm.s32 $0x8700;
	s22 =	simm.s32 $0xC700  }
0xe: {  	s29 =	simm.s32 $0x2700;
	s30 =	simm.s32 $0x6700;
	s31 =	simm.s32 $0xA700  }
0xf: {  	s28 =	simm.s32 $0x1A700;
	s11 =	sand.u32 $0x1, s11;
	s13 =	sshll.u32 s13, $0x7  }
0x10: {  	[smem:$0x7FF] =	sst s15;
	s12 =	ssub.s32 $0x2, s11;
	s11 =	sshll.u32 s11, $0x6  }
0x11: {  	_ =	strace $0x80000047;
	s14 =	sshrl.u32 s12, $0x1;
	s11 =	sor.u32 s11, s13  }
0x12: {  	s13 =	simm.s32 $0x2;
	s12 =	ssub.s32 s12, s14;
	s2 =	sadd.s32 s2, s11  }
0x13: {  	s23 =	sadd.s32 s8, s11;
	s24 =	sadd.s32 s9, s11;
	[dreg:$0xc] =	wrdreg s2  }
0x14: {  	s25 =	sadd.s32 s10, s11;
	s10 =	simm.s32 $0x3;
	[dreg:$0xd] =	wrdreg s23  }
0x15: {  	s8 =	simm.s32 $0x12700;
	s11 =	simm.s32 $0x0;
	[dreg:$0xe] =	wrdreg s24  }
0x16: {  	[dreg:$0xf] =	wrdreg s25;
	s26 =	smax.u32 s12, $0x1;
	s23 =	simm.s32 $0x10700  }
0x17: {  	v0 =	vlaneseq.u32;
	s24 =	simm.s32 $0x14700;
	s25 =	simm.s32 $0x18700;
	s2 =	simm.s32 $0xE700  }
0x18: {  	v1 =	vmul.u32 $0x80, v0;
	s12 =	simm.s32 $0x1;
	[dreg:$0x10] =	wrdreg s26;
	s26 =	simm.s32 $0x16700  }
.LBB2_1:
0x19: {  	[dreg:$0x11] =	wrdreg s11  }
0x1a: {  	s9 =	rddreg [dreg:$0xc]  }
0x1b: {  	[tilespmem:s15], [sflag:$0x3] =	stream.linear.gather [hbm4b:s9+s15], $0x200, $0x38;
	[tilespmem:$0x1C900] =	vst v63  }
0x1c: {  	_ =	swait.ge [sflag:s10], $0x200  }
0x1d: {  	[sflag:s10] =	ssyncset.done $0x0  }
0x1e: {  	s11 =	simm.s32 $0x200;
	s16 =	rddreg [dreg:$0xd];
	[sflag:s10] =	ssyncadd.s32 $0xFFFFFE00  }
0x1f: {  	[tilespmem:s11], [sflag:$0x3] =	stream.linear.gather [hbm4b:s16+s15], $0x200, $0x38;
	[tilespmem:$0x1C900] =	vst v63  }
0x20: {  	_ =	swait.ge [sflag:s10], $0x200  }
0x21: {  	[sflag:s10] =	ssyncset.done $0x0  }
0x22: {  	s14 =	simm.s32 $0x400;
	s17 =	rddreg [dreg:$0xe];
	[sflag:s10] =	ssyncadd.s32 $0xFFFFFE00  }
0x23: {  	[tilespmem:s14], [sflag:$0x3] =	stream.linear.gather [hbm4b:s17+s15], $0x200, $0x38;
	[tilespmem:$0x1C900] =	vst v63  }
0x24: {  	_ =	swait.ge [sflag:s10], $0x200  }
0x25: {  	[sflag:s10] =	ssyncset.done $0x0  }
0x26: {  	[sflag:s10] =	ssyncadd.s32 $0xFFFFFE00  }
0x27: {  	[tilespmem:s19], [sflag:$0x1] =	stream.indirect.gather [hbm4b:s0+s18], $0x80, s15, s18, $0xb8;
	[tilespmem:$0x1C900] =	vst v63  }
0x28: {  	_ = 	snop  }
0x29: {  	[tilespmem:s20], [sflag:$0x1] =	stream.indirect.gather [hbm4b:s0+s18], $0x80, s11, s18, $0xb8;
	[tilespmem:$0x1C900] =	vst v63  }
0x2a: {  	_ = 	snop  }
0x2b: {  	[tilespmem:s21], [sflag:$0x1] =	stream.indirect.gather [hbm4b:s6+s18], $0x80, s15, s18, $0xb8;
	[tilespmem:$0x1C900] =	vst v63  }
0x2c: {  	_ = 	snop  }
0x2d: {  	[tilespmem:s22], [sflag:$0x1] =	stream.indirect.gather [hbm4b:s6+s18], $0x80, s11, s18, $0xb8;
	[tilespmem:$0x1C900] =	vst v63  }
0x2e: {  	_ = 	snop  }
0x2f: {  	[tilespmem:s23], [sflag:$0x1] =	stream.indirect.gather [hbm4b:s1+s18], $0x80, s14, s18, $0xb8;
	[tilespmem:$0x1C900] =	vst v63  }
0x30: {  	_ = 	snop  }
0x31: {  	[tilespmem:s24], [sflag:$0x1] =	stream.indirect.gather [hbm4b:s3+s18], $0x80, s14, s18, $0xb8;
	[tilespmem:$0x1C900] =	vst v63  }
0x32: {  	_ = 	snop  }
0x33: {  	[tilespmem:s25], [sflag:$0x1] =	stream.indirect.gather [hbm4b:s7+s18], $0x80, s14, s18, $0xb8;
	[tilespmem:$0x1C900] =	vst v63  }
0x34: {  	s16 =	simm.s32 $0x600  }
0x35: {  	[tilespmem:s16], [sflag:$0x1] =	stream.indirect.gather [hbm4b:s4+s18], $0x1, s15, s18, $0xb8;
	[tilespmem:$0x1C900] =	vst v63  }
0x36: {  	s17 =	simm.s32 $0x680;
	s16 =	simm.s32 $0x0  }
0x37: {  	[tilespmem:s17], [sflag:$0x1] =	stream.indirect.gather [hbm4b:s5+s18], $0x1, s11, s18, $0xb8;
	[tilespmem:$0x1C900] =	vst v63  }
.LBB2_2:
0x38: {  	s9 =	sshll.u32 s16, $0x7  }
0x39: {  	s17 =	sor.u32 $0x40, s9  }
0x3a: {  	[tilespmem:s29], [sflag:$0x2] =	stream.indirect.gather [hbm4b:s0+s18], $0x80, s17, s18, $0xb8;
	[tilespmem:$0x1C900] =	vst v63  }
0x3b: {  	s10 =	sadd.s32 $0x240, s9  }
0x3c: {  	[tilespmem:s30], [sflag:$0x2] =	stream.indirect.gather [hbm4b:s0+s18], $0x80, s10, s18, $0xb8;
	[tilespmem:$0x1C900] =	vst v63  }
0x3d: {  	_ = 	snop  }
0x3e: {  	[tilespmem:s31], [sflag:$0x2] =	stream.indirect.gather [hbm4b:s6+s18], $0x80, s17, s18, $0xb8;
	[tilespmem:$0x1C900] =	vst v63  }
0x3f: {  	_ = 	snop  }
0x40: {  	[tilespmem:s2], [sflag:$0x2] =	stream.indirect.gather [hbm4b:s6+s18], $0x80, s10, s18, $0xb8;
	[tilespmem:$0x1C900] =	vst v63  }
0x41: {  	s11 =	sadd.s32 $0x440, s9  }
0x42: {  	[tilespmem:s8], [sflag:$0x2] =	stream.indirect.gather [hbm4b:s1+s18], $0x80, s11, s18, $0xb8;
	[tilespmem:$0x1C900] =	vst v63  }
0x43: {  	_ = 	snop  }
0x44: {  	[tilespmem:s26], [sflag:$0x2] =	stream.indirect.gather [hbm4b:s3+s18], $0x80, s11, s18, $0xb8;
	[tilespmem:$0x1C900] =	vst v63  }
0x45: {  	_ = 	snop  }
0x46: {  	[tilespmem:s28], [sflag:$0x2] =	stream.indirect.gather [hbm4b:s7+s18], $0x80, s11, s18, $0xb8;
	[tilespmem:$0x1C900] =	vst v63  }
0x47: {  	s15 =	simm.s32 $0x640  }
0x48: {  	[tilespmem:s15], [sflag:$0x2] =	stream.indirect.gather [hbm4b:s4+s18], $0x1, s17, s18, $0xb8;
	[tilespmem:$0x1C900] =	vst v63  }
0x49: {  	s14 =	simm.s32 $0x6C0  }
0x4a: {  	[tilespmem:s14], [sflag:$0x2] =	stream.indirect.gather [hbm4b:s5+s18], $0x1, s10, s18, $0xb8;
	[tilespmem:$0x1C900] =	vst v63  }
0x4b: {  	_ =	swait.ge [sflag:s12], $0x2000  }
0x4c: {  	[sflag:s12] =	ssyncset.done $0x0  }
0x4d: {  	[sflag:s12] =	ssyncadd.s32 $0xFFFFE000  }
0x4e: {  	_ =	swait.ge [sflag:s12], $0x2000  }
0x4f: {  	[sflag:s12] =	ssyncset.done $0x0  }
0x50: {  	[sflag:s12] =	ssyncadd.s32 $0xFFFFE000  }
0x51: {  	_ =	swait.ge [sflag:s12], $0x2000  }
0x52: {  	[sflag:s12] =	ssyncset.done $0x0  }
0x53: {  	[sflag:s12] =	ssyncadd.s32 $0xFFFFE000  }
0x54: {  	_ =	swait.ge [sflag:s12], $0x2000  }
0x55: {  	[sflag:s12] =	ssyncset.done $0x0  }
0x56: {  	[sflag:s12] =	ssyncadd.s32 $0xFFFFE000  }
0x57: {  	_ =	swait.ge [sflag:s12], $0x2000  }
0x58: {  	[sflag:s12] =	ssyncset.done $0x0  }
0x59: {  	[sflag:s12] =	ssyncadd.s32 $0xFFFFE000  }
0x5a: {  	_ =	swait.ge [sflag:s12], $0x2000  }
0x5b: {  	[sflag:s12] =	ssyncset.done $0x0  }
0x5c: {  	[sflag:s12] =	ssyncadd.s32 $0xFFFFE000  }
0x5d: {  	_ =	swait.ge [sflag:s12], $0x2000  }
0x5e: {  	[sflag:s12] =	ssyncset.done $0x0  }
0x5f: {  	[sflag:s12] =	ssyncadd.s32 $0xFFFFE000  }
0x60: {  	_ =	swait.ge [sflag:s12], $0x40  }
0x61: {  	[sflag:s12] =	ssyncset.done $0x0  }
0x62: {  	[sflag:s12] =	ssyncadd.s32 $0xFFFFFFC0  }
0x63: {  	s15 =	sand.u32 $0x3FFFFF80, s9;
	_ =	swait.ge [sflag:s12], $0x40  }
0x64: {  	s10 =	sadd.s32 $0x1C700, s15;
	[sflag:s12] =	ssyncset.done $0x0  }
0x65: {  	s15 =	simm.s32 $0x0;
	s14 =	simm.s32 $0x0;
	v2 =	vmov s10;
	[sflag:s12] =	ssyncadd.s32 $0xFFFFFFC0  }
.LBB2_3:
0x66: {  	s10 =	sshll.u32 s14, $0x4  }
0x67: {  	v3 =	vmov s10  }
0x68: {  	v4 =	vadd.s32 s15, v0;
	v3 =	vshll.u32 v3, $0x7  }
0x69: {  	v11 =	vor.u32 v1, v3;
	v3 =	vand.u32 $0x7F, v4  }
0x6a: {  	v3 =	vor.u32 v11, v3;
	_ =	sdelay $0x3  }
0x6b: {  	s11 =	simm.s32 $0x1  }
0x6c: {  	v4 =	vadd.s32 s11, v0;
	v5 =	vld.idx.msk [tilespmem:v3+s23+$0x0], $0xffff  }
0x6d: {  	v4 =	vand.u32 $0x7F, v4;
	v6 =	vld.idx.msk [tilespmem:v3+s21+$0x0], $0xffff  }
0x6e: {  	v7 =	vor.u32 v11, v4;
	v4 =	vld.idx.msk [tilespmem:v3+s19+$0x0], $0xffff  }
0x6f: {  	v8 =	vld.idx.msk [tilespmem:v3+s22+$0x0], $0xffff  }
0x70: {  	v9 =	vld.idx.msk [tilespmem:v3+s20+$0x0], $0xffff  }
0x71: {  	v10 =	vld.idx.msk [tilespmem:v3+s25+$0x0], $0xffff  }
0x72: {  	v3 =	vld.idx.msk [tilespmem:v3+s24+$0x0], $0xffff  }
0x73: {  	v13 =	vld.idx.msk [tilespmem:v7+s23+$0x0], $0xffff  }
0x74: {  	s11 =	simm.s32 $0x2;
	v15 =	vld.idx.msk [tilespmem:v7+s21+$0x0], $0xffff  }
0x75: {  	v12 =	vadd.s32 s11, v0;
	v23 =	vld.idx.msk [tilespmem:v7+s19+$0x0], $0xffff;
	v14 =	vmul.f32 v6, v5  }
0x76: {  	v12 =	vand.u32 $0x7F, v12  }
0x77: {  	v18 =	vor.u32 v11, v12;
	v19 =	vld.idx.msk [tilespmem:v7+s20+$0x0], $0xffff;
	v6 =	vmul.f32 v5, v4;
	v5 =	vsub.f32 v14, v8  }
0x78: {  	v20 =	vld.idx.msk [tilespmem:v7+s24+$0x0], $0xffff  }
0x79: {  	v4 =	vld.idx.msk [tilespmem:v7+s22+$0x0], $0xffff;
	v8 =	vmul.f32 v6, v6;
	v10 =	vsub.f32 v5, v10  }
0x7a: {  	v12 =	vadd.f32 v3, v9;
	v14 =	vmul.f32 v15, v13;
	v15 =	vmul.f32 v13, v23;
	v13 =	vmovc v18  }
0x7b: {  	v16 =	vimm.f32 $0.0e+00;
	s11 =	simm.s32 $0x3;
	v9 =	vmov v18;
	v5 =	vld.idx.msk [tilespmem:v7+s25+$0x0], $0xffff;
	v3 =	vmul.f32 v10, v10  }
0x7c: {  	v21 =	vmul.f32 v12, v12;
	v17 =	vadd.f32 v8, v16;
	v8 =	vadd.s32 s11, v0;
	v7 =	vld.idx.msk [tilespmem:v18+s23+$0x0], $0xffff  }
0x7d: {  	s11 =	simm.s32 $0x4;
	v22 =	vand.u32 $0x7F, v8;
	v8 =	vld.idx.msk [tilespmem:v18+s21+$0x0], $0xffff;
	v10 =	vimm.f32 $0.0e+00;
	v3 =	vadd.f32 v3, v16  }
.LBB2_4:
0x7e: {  	p0 =	sne.s32 s11, $0x7F;
	v23 =	vld.idx.msk [tilespmem:v18+s19+$0x0], $0xffff;
	v18 =	vor.u32 v11, v22;
	v14 =	vsub.f32 v14, v4;
	v24 =	vmul.f32 v12, v6  }
0x7f: {  	v16 =	vadd.f32 v21, v16;
	v12 =	vmovc v19;
	v4 =	vld.idx.msk [tilespmem:v13+s22+$0x0], $0xffff;
	v22 =	vmul.f32 v15, v15;
	v13 =	vmov v18  }
.Ltmp0:
0x80: {  	v6 =	vmov v15;
	v19 =	vld.idx.msk [tilespmem:v9+s20+$0x0], $0xffff;
	v14 =	vsub.f32 v14, v5;
	v10 =	vadd.f32 v24, v10;
	(pc) =	sbr.rel @p0 .LBB2_4-.Ltmp0, $4  }
0x81: {  	v12 =	vadd.f32 v20, v12;
	v5 =	vld.idx.msk [tilespmem:v9+s25+$0x0], $0xffff;
	v17 =	vadd.f32 v22, v17  }
0x82: {  	v15 =	vmov v7;
	v20 =	vld.idx.msk [tilespmem:v9+s24+$0x0], $0xffff;
	v24 =	vmul.f32 v14, v14;
	v9 =	vmov v18  }
0x83: {  	v22 =	vadd.s32 s11, v0;
	v14 =	vmul.f32 v8, v15;
	v21 =	vmul.f32 v12, v12;
	v7 =	vld.idx.msk [tilespmem:v18+s23+$0x0], $0xffff  }
0x84: {  	s11 =	sadd.s32 $0x1, s11;
	v22 =	vand.u32 $0x7F, v22;
	v15 =	vmul.f32 v15, v23;
	v8 =	vld.idx.msk [tilespmem:v18+s21+$0x0], $0xffff;
	v3 =	vadd.f32 v24, v3  }
0x85: {  	_ =	sdelay $0x1  }
0x86: {  	v11 =	vor.u32 v11, v22;
	_ =	sdelay $0x1  }
0x87: {  	v18 =	vld.idx.msk [tilespmem:v18+s19+$0x0], $0xffff  }
0x88: {  	v32 =	vld.idx.msk [tilespmem:v9+s20+$0x0], $0xffff  }
0x89: {  	v23 =	vld.idx.msk [tilespmem:v9+s24+$0x0], $0xffff  }
0x8a: {  	v24 =	vld.idx.msk [tilespmem:v11+s23+$0x0], $0xffff  }
0x8b: {  	v25 =	vld.idx.msk [tilespmem:v11+s19+$0x0], $0xffff  }
0x8c: {  	v26 =	vld.idx.msk [tilespmem:v11+s20+$0x0], $0xffff  }
0x8d: {  	v19 =	vadd.f32 v20, v19;
	v33 =	vld.idx.msk [tilespmem:v11+s24+$0x0], $0xffff  }
0x8e: {  	v27 =	vmul.f32 v15, v15  }
0x8f: {  	v16 =	vadd.f32 v21, v16;
	v34 =	vmul.f32 v19, v19;
	v18 =	vmul.f32 v7, v18  }
0x90: {  	v22 =	vadd.f32 v23, v32  }
0x91: {  	v17 =	vadd.f32 v27, v17;
	v16 =	vadd.f32 v34, v16;
	v35 =	vmul.f32 v18, v18  }
0x92: {  	v23 =	vmul.f32 v22, v22;
	v20 =	vadd.f32 v33, v26;
	v25 =	vmul.f32 v24, v25  }
0x93: {  	v17 =	vadd.f32 v35, v17  }
0x94: {  	v16 =	vadd.f32 v23, v16;
	v36 =	vmul.f32 v25, v25;
	v37 =	vmul.f32 v20, v20;
	_ =	sdelay $0x1  }
0x95: {  	v17 =	vadd.f32 v36, v17;
	v16 =	vadd.f32 v37, v16;
	_ =	sdelay $0x1  }
0x96: {  	v17 =	vadd.f32 $1.000000000e+00, v17;
	v16 =	vadd.f32 $1.000000000e+00, v16;
	_ =	sdelay $0x1  }
0x97: {  	v16 =	vmul.f32 v16, v17;
	_ =	sdelay $0x1  }
0x98: {  	v17 =	vshrl.u32 v16, $0x1;
	v38 =	vmul.f32 $5.000000000e-01, v16  }
0x99: {  	v17 =	vsub.s32 $0x5F3759DF, v17  }
0x9a: {  	v39 =	vmul.f32 v17, v38;
	_ =	sdelay $0x1  }
0x9b: {  	v23 =	vmul.f32 v17, v39;
	_ =	sdelay $0x1  }
0x9c: {  	v23 =	vsub.f32 $1.500000000e+00, v23;
	_ =	sdelay $0x1  }
0x9d: {  	v17 =	vmul.f32 v17, v23;
	_ =	sdelay $0x1  }
0x9e: {  	v23 =	vmul.f32 v17, v38;
	_ =	sdelay $0x1  }
0x9f: {  	v23 =	vmul.f32 v23, v17;
	_ =	sdelay $0x1  }
0xa0: {  	v23 =	vsub.f32 $1.500000000e+00, v23;
	_ =	sdelay $0x1  }
0xa1: {  	v17 =	vmul.f32 v23, v17;
	_ =	sdelay $0x1  }
0xa2: {  	v23 =	vmul.f32 v17, v38;
	_ =	sdelay $0x1  }
0xa3: {  	v23 =	vmul.f32 v23, v17;
	_ =	sdelay $0x1  }
0xa4: {  	v23 =	vsub.f32 $1.500000000e+00, v23  }
0xa5: {  	v6 =	vmul.f32 v12, v6  }
0xa6: {  	v13 =	vld.idx.msk [tilespmem:v13+s22+$0x0], $0xffff;
	v40 =	vmul.f32 v23, v17  }
0xa7: {  	v6 =	vadd.f32 v6, v10;
	v42 =	vmul.f32 v19, v15;
	v41 =	vld.idx.msk [tilespmem:v11+s21+$0x0], $0xffff  }
0xa8: {  	v43 =	vld.idx.msk [tilespmem:v9+s25+$0x0], $0xffff;
	v4 =	vsub.f32 v14, v4;
	v44 =	vmul.f32 v40, v38  }
0xa9: {  	v45 =	vmul.f32 v8, v7;
	v46 =	vld.idx.msk [tilespmem:v11+s22+$0x0], $0xffff;
	v6 =	vadd.f32 v42, v6;
	v47 =	vmul.f32 v22, v18  }
0xaa: {  	v4 =	vsub.f32 v4, v5;
	v48 =	vmul.f32 v44, v40  }
0xab: {  	v50 =	vld.idx.msk [tilespmem:v11+s25+$0x0], $0xffff;
	v49 =	vsub.f32 v45, v13;
	v6 =	vadd.f32 v47, v6  }
0xac: {  	v51 =	vmul.f32 v41, v24;
	v52 =	vmul.f32 v20, v25;
	v53 =	vsub.f32 $1.500000000e+00, v48  }
0xad: {  	v4 =	vmul.f32 v4, v4;
	v5 =	vsub.f32 v49, v43  }
0xae: {  	v8 =	vsub.f32 v51, v46;
	v6 =	vadd.f32 v52, v6;
	v54 =	vmul.f32 v53, v40  }
0xaf: {  	v3 =	vadd.f32 v4, v3;
	v55 =	vmul.f32 v5, v5  }
0xb0: {  	v56 =	vsub.f32 v8, v50;
	v6 =	vadd.f32 v6, v6;
	v57 =	vmul.f32 v54, v16  }
0xb1: {  	v3 =	vadd.f32 v55, v3  }
0xb2: {  	v58 =	vmul.f32 v56, v56;
	v59 =	vadd.f32 $2.000000000e+00, v6;
	v60 =	vadd.f32 v57, v57  }
0xb3: {  	v61 =	vld [tilespmem:s10+$0x600]  }
0xb4: {  	v3 =	vadd.f32 v58, v3;
	v62 =	vsub.f32 v59, v60  }
0xb5: {  	v63 =	vld [tilespmem:s10+$0x680]  }
0xb6: {  	s14 =	sadd.s32 $0x1, s14;
	v3 =	vsub.f32 v62, v3  }
0xb7: {  	p0 =	sne.s32 s14, $0x4  }
.Ltmp1:
0xb8: {  	v3 =	vadd.f32 v61, v3;
	(pc) =	sbr.rel @p0 .LBB2_3-.Ltmp1, $3  }
0xb9: {  	_ = 	snop  }
0xba: {  	v3 =	vadd.f32 v63, v3;
	_ =	sdelay $0x1  }
0xbb: {  	[tilespmem:v2+s10+$0x0 ss:$0x1] =	vst.idx.msk $0xffff, v3  }
0xbc: {  	p0 =	seq.s32 s16, $0x3  }
0xbd: {  	s10 =	sadd.s32 @!p0 $0x80, s9;
	s11 =	simm.s32 @!p0 $0x40;
	s14 =	simm.s32 @!p0 $0x700  }
0xbe: {  	[tilespmem:s14], [sflag:$0x1] =	stream.indirect.gather @!p0 [hbm4b:s0+s11], $0x80, s10, s11, $0xb8;
	[tilespmem:$0x1C900] =	vst v63  }
0xbf: {  	s15 =	simm.s32 @!p0 $0x4700;
	s14 =	sadd.s32 @!p0 $0x280, s9  }
0xc0: {  	[tilespmem:s15], [sflag:$0x1] =	stream.indirect.gather @!p0 [hbm4b:s0+s11], $0x80, s14, s11, $0xb8;
	[tilespmem:$0x1C900] =	vst v63  }
0xc1: {  	s15 =	simm.s32 @!p0 $0x8700  }
0xc2: {  	[tilespmem:s15], [sflag:$0x1] =	stream.indirect.gather @!p0 [hbm4b:s6+s11], $0x80, s10, s11, $0xb8;
	[tilespmem:$0x1C900] =	vst v63  }
0xc3: {  	s15 =	simm.s32 @!p0 $0xC700  }
0xc4: {  	[tilespmem:s15], [sflag:$0x1] =	stream.indirect.gather @!p0 [hbm4b:s6+s11], $0x80, s14, s11, $0xb8;
	[tilespmem:$0x1C900] =	vst v63  }
0xc5: {  	s9 =	sadd.s32 @!p0 $0x480, s9;
	s15 =	simm.s32 @!p0 $0x10700  }
0xc6: {  	[tilespmem:s15], [sflag:$0x1] =	stream.indirect.gather @!p0 [hbm4b:s1+s11], $0x80, s9, s11, $0xb8;
	[tilespmem:$0x1C900] =	vst v63  }
0xc7: {  	s15 =	simm.s32 @!p0 $0x14700  }
0xc8: {  	[tilespmem:s15], [sflag:$0x1] =	stream.indirect.gather @!p0 [hbm4b:s3+s11], $0x80, s9, s11, $0xb8;
	[tilespmem:$0x1C900] =	vst v63  }
0xc9: {  	s15 =	simm.s32 @!p0 $0x18700  }
0xca: {  	[tilespmem:s15], [sflag:$0x1] =	stream.indirect.gather @!p0 [hbm4b:s7+s11], $0x80, s9, s11, $0xb8;
	[tilespmem:$0x1C900] =	vst v63  }
0xcb: {  	s9 =	simm.s32 @!p0 $0x600  }
0xcc: {  	[tilespmem:s9], [sflag:$0x1] =	stream.indirect.gather @!p0 [hbm4b:s4+s11], $0x1, s10, s11, $0xb8;
	[tilespmem:$0x1C900] =	vst v63  }
0xcd: {  	s9 =	simm.s32 @!p0 $0x680  }
0xce: {  	[tilespmem:s9], [sflag:$0x1] =	stream.indirect.gather @!p0 [hbm4b:s5+s11], $0x1, s14, s11, $0xb8;
	[tilespmem:$0x1C900] =	vst v63  }
0xcf: {  	_ =	swait.ge [sflag:s13], $0x2000  }
0xd0: {  	[sflag:s13] =	ssyncset.done $0x0  }
0xd1: {  	[sflag:s13] =	ssyncadd.s32 $0xFFFFE000  }
0xd2: {  	_ =	swait.ge [sflag:s13], $0x2000  }
0xd3: {  	[sflag:s13] =	ssyncset.done $0x0  }
0xd4: {  	[sflag:s13] =	ssyncadd.s32 $0xFFFFE000  }
0xd5: {  	_ =	swait.ge [sflag:s13], $0x2000  }
0xd6: {  	[sflag:s13] =	ssyncset.done $0x0  }
0xd7: {  	[sflag:s13] =	ssyncadd.s32 $0xFFFFE000  }
0xd8: {  	_ =	swait.ge [sflag:s13], $0x2000  }
0xd9: {  	[sflag:s13] =	ssyncset.done $0x0  }
0xda: {  	[sflag:s13] =	ssyncadd.s32 $0xFFFFE000  }
0xdb: {  	_ =	swait.ge [sflag:s13], $0x2000  }
0xdc: {  	[sflag:s13] =	ssyncset.done $0x0  }
0xdd: {  	[sflag:s13] =	ssyncadd.s32 $0xFFFFE000  }
0xde: {  	_ =	swait.ge [sflag:s13], $0x2000  }
0xdf: {  	[sflag:s13] =	ssyncset.done $0x0  }
0xe0: {  	[sflag:s13] =	ssyncadd.s32 $0xFFFFE000  }
0xe1: {  	_ =	swait.ge [sflag:s13], $0x2000  }
0xe2: {  	[sflag:s13] =	ssyncset.done $0x0  }
0xe3: {  	[sflag:s13] =	ssyncadd.s32 $0xFFFFE000  }
0xe4: {  	_ =	swait.ge [sflag:s13], $0x40  }
0xe5: {  	[sflag:s13] =	ssyncset.done $0x0  }
0xe6: {  	[sflag:s13] =	ssyncadd.s32 $0xFFFFFFC0  }
0xe7: {  	_ =	swait.ge [sflag:s13], $0x40  }
0xe8: {  	s17 =	sadd.s32 $0x1C700, s17;
	[sflag:s13] =	ssyncset.done $0x0  }
0xe9: {  	v2 =	vmov s17;
	s9 =	simm.s32 $0x0;
	s14 =	simm.s32 $0x0;
	[sflag:s13] =	ssyncadd.s32 $0xFFFFFFC0  }
.LBB2_7:
0xea: {  	s10 =	sshll.u32 s14, $0x4  }
0xeb: {  	v3 =	vmov s10  }
0xec: {  	v4 =	vadd.s32 s9, v0;
	v3 =	vshll.u32 v3, $0x7  }
0xed: {  	v11 =	vor.u32 v1, v3;
	v3 =	vand.u32 $0x7F, v4  }
0xee: {  	v3 =	vor.u32 v11, v3;
	_ =	sdelay $0x3  }
0xef: {  	s11 =	simm.s32 $0x1  }
0xf0: {  	v4 =	vadd.s32 s11, v0;
	v5 =	vld.idx.msk [tilespmem:v3+s8+$0x0], $0xffff  }
0xf1: {  	v4 =	vand.u32 $0x7F, v4;
	v6 =	vld.idx.msk [tilespmem:v3+s31+$0x0], $0xffff  }
0xf2: {  	v7 =	vor.u32 v11, v4;
	v4 =	vld.idx.msk [tilespmem:v3+s29+$0x0], $0xffff  }
0xf3: {  	v8 =	vld.idx.msk [tilespmem:v3+s2+$0x0], $0xffff  }
0xf4: {  	v9 =	vld.idx.msk [tilespmem:v3+s30+$0x0], $0xffff  }
0xf5: {  	v10 =	vld.idx.msk [tilespmem:v3+s28+$0x0], $0xffff  }
0xf6: {  	v3 =	vld.idx.msk [tilespmem:v3+s26+$0x0], $0xffff  }
0xf7: {  	v13 =	vld.idx.msk [tilespmem:v7+s8+$0x0], $0xffff  }
0xf8: {  	s15 =	simm.s32 $0x2;
	v15 =	vld.idx.msk [tilespmem:v7+s31+$0x0], $0xffff  }
0xf9: {  	v12 =	vadd.s32 s15, v0;
	v23 =	vld.idx.msk [tilespmem:v7+s29+$0x0], $0xffff;
	v14 =	vmul.f32 v6, v5  }
0xfa: {  	v12 =	vand.u32 $0x7F, v12  }
0xfb: {  	v18 =	vor.u32 v11, v12;
	v19 =	vld.idx.msk [tilespmem:v7+s30+$0x0], $0xffff;
	v6 =	vmul.f32 v5, v4;
	v5 =	vsub.f32 v14, v8  }
0xfc: {  	v20 =	vld.idx.msk [tilespmem:v7+s26+$0x0], $0xffff  }
0xfd: {  	v4 =	vld.idx.msk [tilespmem:v7+s2+$0x0], $0xffff;
	v8 =	vmul.f32 v6, v6;
	v10 =	vsub.f32 v5, v10  }
0xfe: {  	v12 =	vadd.f32 v3, v9;
	v14 =	vmul.f32 v15, v13;
	v15 =	vmul.f32 v13, v23;
	v13 =	vmovc v18  }
0xff: {  	v16 =	vimm.f32 $0.0e+00;
	s17 =	simm.s32 $0x3;
	v9 =	vmov v18;
	v5 =	vld.idx.msk [tilespmem:v7+s28+$0x0], $0xffff;
	v3 =	vmul.f32 v10, v10  }
0x100: {  	v21 =	vmul.f32 v12, v12;
	v17 =	vadd.f32 v8, v16;
	v8 =	vadd.s32 s17, v0;
	v7 =	vld.idx.msk [tilespmem:v18+s8+$0x0], $0xffff  }
0x101: {  	s11 =	simm.s32 $0x4;
	v22 =	vand.u32 $0x7F, v8;
	v8 =	vld.idx.msk [tilespmem:v18+s31+$0x0], $0xffff;
	v10 =	vimm.f32 $0.0e+00;
	v3 =	vadd.f32 v3, v16  }
.LBB2_8:
0x102: {  	p0 =	sne.s32 s11, $0x7F;
	v23 =	vld.idx.msk [tilespmem:v18+s29+$0x0], $0xffff;
	v18 =	vor.u32 v11, v22;
	v14 =	vsub.f32 v14, v4;
	v24 =	vmul.f32 v12, v6  }
0x103: {  	v16 =	vadd.f32 v21, v16;
	v12 =	vmovc v19;
	v4 =	vld.idx.msk [tilespmem:v13+s2+$0x0], $0xffff;
	v22 =	vmul.f32 v15, v15;
	v13 =	vmov v18  }
.Ltmp2:
0x104: {  	v6 =	vmov v15;
	v19 =	vld.idx.msk [tilespmem:v9+s30+$0x0], $0xffff;
	v14 =	vsub.f32 v14, v5;
	v10 =	vadd.f32 v24, v10;
	(pc) =	sbr.rel @p0 .LBB2_8-.Ltmp2, $4  }
0x105: {  	v12 =	vadd.f32 v20, v12;
	v5 =	vld.idx.msk [tilespmem:v9+s28+$0x0], $0xffff;
	v17 =	vadd.f32 v22, v17  }
0x106: {  	v15 =	vmov v7;
	v20 =	vld.idx.msk [tilespmem:v9+s26+$0x0], $0xffff;
	v24 =	vmul.f32 v14, v14;
	v9 =	vmov v18  }
0x107: {  	v22 =	vadd.s32 s11, v0;
	v14 =	vmul.f32 v8, v15;
	v21 =	vmul.f32 v12, v12;
	v7 =	vld.idx.msk [tilespmem:v18+s8+$0x0], $0xffff  }
0x108: {  	s11 =	sadd.s32 $0x1, s11;
	v22 =	vand.u32 $0x7F, v22;
	v15 =	vmul.f32 v15, v23;
	v8 =	vld.idx.msk [tilespmem:v18+s31+$0x0], $0xffff;
	v3 =	vadd.f32 v24, v3  }
0x109: {  	_ =	sdelay $0x1  }
0x10a: {  	v11 =	vor.u32 v11, v22;
	_ =	sdelay $0x1  }
0x10b: {  	v18 =	vld.idx.msk [tilespmem:v18+s29+$0x0], $0xffff  }
0x10c: {  	v32 =	vld.idx.msk [tilespmem:v9+s30+$0x0], $0xffff  }
0x10d: {  	v23 =	vld.idx.msk [tilespmem:v9+s26+$0x0], $0xffff  }
0x10e: {  	v24 =	vld.idx.msk [tilespmem:v11+s8+$0x0], $0xffff  }
0x10f: {  	v25 =	vld.idx.msk [tilespmem:v11+s29+$0x0], $0xffff  }
0x110: {  	v26 =	vld.idx.msk [tilespmem:v11+s30+$0x0], $0xffff  }
0x111: {  	v19 =	vadd.f32 v20, v19;
	v33 =	vld.idx.msk [tilespmem:v11+s26+$0x0], $0xffff  }
0x112: {  	v27 =	vmul.f32 v15, v15  }
0x113: {  	v16 =	vadd.f32 v21, v16;
	v34 =	vmul.f32 v19, v19;
	v18 =	vmul.f32 v7, v18  }
0x114: {  	v22 =	vadd.f32 v23, v32  }
0x115: {  	v17 =	vadd.f32 v27, v17;
	v16 =	vadd.f32 v34, v16;
	v35 =	vmul.f32 v18, v18  }
0x116: {  	v23 =	vmul.f32 v22, v22;
	v20 =	vadd.f32 v33, v26;
	v25 =	vmul.f32 v24, v25  }
0x117: {  	v17 =	vadd.f32 v35, v17  }
0x118: {  	v16 =	vadd.f32 v23, v16;
	v36 =	vmul.f32 v25, v25;
	v37 =	vmul.f32 v20, v20;
	_ =	sdelay $0x1  }
0x119: {  	v17 =	vadd.f32 v36, v17;
	v16 =	vadd.f32 v37, v16;
	_ =	sdelay $0x1  }
0x11a: {  	v17 =	vadd.f32 $1.000000000e+00, v17;
	v16 =	vadd.f32 $1.000000000e+00, v16;
	_ =	sdelay $0x1  }
0x11b: {  	v16 =	vmul.f32 v16, v17;
	_ =	sdelay $0x1  }
0x11c: {  	v17 =	vshrl.u32 v16, $0x1;
	v38 =	vmul.f32 $5.000000000e-01, v16  }
0x11d: {  	v17 =	vsub.s32 $0x5F3759DF, v17  }
0x11e: {  	v39 =	vmul.f32 v17, v38;
	_ =	sdelay $0x1  }
0x11f: {  	v23 =	vmul.f32 v17, v39;
	_ =	sdelay $0x1  }
0x120: {  	v23 =	vsub.f32 $1.500000000e+00, v23;
	_ =	sdelay $0x1  }
0x121: {  	v17 =	vmul.f32 v17, v23;
	_ =	sdelay $0x1  }
0x122: {  	v23 =	vmul.f32 v17, v38;
	_ =	sdelay $0x1  }
0x123: {  	v23 =	vmul.f32 v23, v17;
	_ =	sdelay $0x1  }
0x124: {  	v23 =	vsub.f32 $1.500000000e+00, v23;
	_ =	sdelay $0x1  }
0x125: {  	v17 =	vmul.f32 v23, v17;
	_ =	sdelay $0x1  }
0x126: {  	v23 =	vmul.f32 v17, v38;
	_ =	sdelay $0x1  }
0x127: {  	v23 =	vmul.f32 v23, v17;
	_ =	sdelay $0x1  }
0x128: {  	v23 =	vsub.f32 $1.500000000e+00, v23  }
0x129: {  	v6 =	vmul.f32 v12, v6  }
0x12a: {  	v13 =	vld.idx.msk [tilespmem:v13+s2+$0x0], $0xffff;
	v40 =	vmul.f32 v23, v17  }
0x12b: {  	v6 =	vadd.f32 v6, v10;
	v42 =	vmul.f32 v19, v15;
	v41 =	vld.idx.msk [tilespmem:v11+s31+$0x0], $0xffff  }
0x12c: {  	v43 =	vld.idx.msk [tilespmem:v9+s28+$0x0], $0xffff;
	v4 =	vsub.f32 v14, v4;
	v44 =	vmul.f32 v40, v38  }
0x12d: {  	v45 =	vmul.f32 v8, v7;
	v46 =	vld.idx.msk [tilespmem:v11+s2+$0x0], $0xffff;
	v6 =	vadd.f32 v42, v6;
	v47 =	vmul.f32 v22, v18  }
0x12e: {  	v4 =	vsub.f32 v4, v5;
	v48 =	vmul.f32 v44, v40  }
0x12f: {  	v50 =	vld.idx.msk [tilespmem:v11+s28+$0x0], $0xffff;
	v49 =	vsub.f32 v45, v13;
	v6 =	vadd.f32 v47, v6  }
0x130: {  	v51 =	vmul.f32 v41, v24;
	v52 =	vmul.f32 v20, v25;
	v53 =	vsub.f32 $1.500000000e+00, v48  }
0x131: {  	v4 =	vmul.f32 v4, v4;
	v5 =	vsub.f32 v49, v43  }
0x132: {  	v8 =	vsub.f32 v51, v46;
	v6 =	vadd.f32 v52, v6;
	v54 =	vmul.f32 v53, v40  }
0x133: {  	v3 =	vadd.f32 v4, v3;
	v55 =	vmul.f32 v5, v5  }
0x134: {  	v56 =	vsub.f32 v8, v50;
	v6 =	vadd.f32 v6, v6;
	v57 =	vmul.f32 v54, v16  }
0x135: {  	v3 =	vadd.f32 v55, v3  }
0x136: {  	v58 =	vmul.f32 v56, v56;
	v59 =	vadd.f32 $2.000000000e+00, v6;
	v60 =	vadd.f32 v57, v57  }
0x137: {  	v61 =	vld [tilespmem:s10+$0x640]  }
0x138: {  	v3 =	vadd.f32 v58, v3;
	v62 =	vsub.f32 v59, v60  }
0x139: {  	v63 =	vld [tilespmem:s10+$0x6C0]  }
0x13a: {  	s14 =	sadd.s32 $0x1, s14;
	v3 =	vsub.f32 v62, v3  }
0x13b: {  	p0 =	sne.s32 s14, $0x4  }
.Ltmp3:
0x13c: {  	v3 =	vadd.f32 v61, v3;
	(pc) =	sbr.rel @p0 .LBB2_7-.Ltmp3, $3  }
0x13d: {  	_ = 	snop  }
0x13e: {  	v3 =	vadd.f32 v63, v3;
	_ =	sdelay $0x1  }
0x13f: {  	[tilespmem:v2+s10+$0x0 ss:$0x1] =	vst.idx.msk $0xffff, v3  }
0x140: {  	s16 =	sadd.s32 $0x1, s16  }
0x141: {  	p0 =	sne.s32 s16, $0x4  }
.Ltmp4:
0x142: {  	_ = 	snop;
	(pc) =	sbr.rel @p0 .LBB2_2-.Ltmp4, $1  }
0x143: {  	_ =	sdelay $0x3  }
0x144: {  	s15 =	simm.s32 $0x0;
	s9 =	rddreg [dreg:$0xf];
	s10 =	simm.s32 $0x1C700  }
0x145: {  	[hbm4b:s9+s15] =	stream.linear.scatter [tilespmem:s10], [sflag:$0x3], $0x200, $0x38;
	[tilespmem:$0x1C900] =	vst v63  }
0x146: {  	s10 =	simm.s32 $0x3  }
0x147: {  	_ =	swait.ge [sflag:s10], $0x200  }
0x148: {  	s11 =	rddreg [dreg:$0x11]  }
0x149: {  	s17 =	rddreg [dreg:$0x10];
	s11 =	sadd.s32 $0x1, s11  }
0x14a: {  	p0 =	sne.s32 s11, s17  }
.Ltmp5:
0x14b: {  	_ = 	snop;
	(pc) =	sbr.rel @p0 .LBB2_1-.Ltmp5, $3  }
0x14c: {  	_ =	sdelay $0x1  }
0x14d: {  	[sflag:s10] =	ssyncset.done $0x0  }
0x14e: {  	[sflag:s10] =	ssyncadd.s32 $0xFFFFFE00  }
0x14f: {  	_ =	sfence.sel $0x180000  }
0x150: {  	[bflag:$0x0] =	sbarrier.arrive $0xFFFF  }
0x151: {  	_ =	strace $0x90000047  }
0x152: {  	s0 =	stileid.u32;
	[bflag:$0x2] =	sbarrier.arrive $0xFFFF  }
0x153: {  	p0 =	sne.s32 s0, $0x0;
	s0 =	rddreg [dreg:$0xb]  }
0x154: {  	s0 =	sadd.s32 @!p0 $0x100000, s0  }
0x155: {  	[sflag:s0] =	ssyncadd.tile.s32 @!p0 $0x1;
	_ =	shalt  }
.Lfunc_end2:
_tile_overlayer_lowered:
.L_overlay_start_2:
0x156: {  	(tag) =	ssettag $0x2  }
0x157: {  	s0 =	rddreg [dreg:$0x0];
	s2 =	stileid.u32  }
0x158: {  	s1 =	rddreg [dreg:$0x1];
	p0 =	sne.s32 s2, $0x0  }
0x159: {  	s3 =	rddreg [dreg:$0x2];
	[bflag:$0x3] =	sbarrier.arrive $0xFFFF;
	s2 =	simm.s32 @!p0 $0x1C03  }
0x15a: {  	[timem:s3], [sflag:s2] =	dma.local @!p0 [hbm:s0], s1  }
0x15b: {  	s0 =	simm.s32 @!p0 $0x3  }
0x15c: {  	_ =	swait.ge @!p0 [sflag:s0], s1  }
0x15d: {  	s1 =	ssub.s32 @!p0 $0x0, s1;
	[sflag:s0] =	ssyncset.done @!p0 $0x0  }
0x15e: {  	[sflag:s0] =	ssyncadd.s32 @!p0 s1  }
0x15f: {  	[bflag:$0x3] =	sbarrier.arrive $0xFFFF  }
0x160: {  	_ =	shalt  }

</sc_bundles>
